<compile_context>
chip_gen: v7x
topology: tpu7x:2x2x1
jax: 0.10.2.dev20260603
libtpu: 0.0.44.dev20260713+nightly
codegen_flags: <defaults>
</compile_context>

<pallas_src>
import jax
import jax.numpy as jnp
from jax import lax
from jax.experimental import pallas as pl
from jax.experimental.pallas import tpu as pltpu
from jax.experimental.pallas import tpu_sc as plsc

DELTA_VAR = 0.5
DELTA_DIST = 1.5
ALPHA = 1.0
BETA = 1.0

L = 16
NC = 2
NS = 16
D = 16
C = 128
ROWS = 144


def _rsqrt(x):
    i = plsc.bitcast(x, jnp.int32)
    i = 0x5F3759DF - (i >> 1)
    y = plsc.bitcast(i, jnp.float32)
    for _ in range(3):
        y = y * (1.5 - 0.5 * x * y * y)
    return y


def _tree_sum(xs):
    xs = list(xs)
    while len(xs) > 1:
        nxt = [xs[i] + xs[i + 1] for i in range(0, len(xs) - 1, 2)]
        if len(xs) % 2:
            nxt.append(xs[-1])
        xs = nxt
    return xs[0]


def _body(emb_hbm, seg_hbm, pack_hbm, out_hbm,
          emb_v, seg_v, tab_v, e0_v, e1_v, w_v, idxa_v, idxb_v,
          row_v, shared, sem_in):
    cid = lax.axis_index("c")
    sid = lax.axis_index("s")
    wid = cid * NS + sid

    pix = emb_v.shape[1] * emb_v.shape[2]
    ngrp = pix // L
    ept = e0_v.shape[0]

    iota = lax.iota(jnp.int32, L)
    zeros = jnp.zeros((L,), jnp.float32)
    ones = jnp.ones((L,), jnp.float32)
    cols = [jnp.full((L,), d, jnp.int32) for d in range(D)]

    rpt = pix // 128
    n_edges = ept * NS
    dins = [
        pltpu.make_async_copy(emb_hbm.at[cid, :, pl.ds(sid * rpt, rpt), :],
                              emb_v, sem_in),
        pltpu.make_async_copy(seg_hbm.at[cid, 0, pl.ds(sid * rpt, rpt), :],
                              seg_v, sem_in),
        pltpu.make_async_copy(pack_hbm.at[cid, pl.ds(sid * ept, ept)],
                              e0_v, sem_in),
        pltpu.make_async_copy(
            pack_hbm.at[cid, pl.ds(n_edges + sid * ept, ept)], e1_v, sem_in),
        pltpu.make_async_copy(
            pack_hbm.at[cid, pl.ds(2 * n_edges + sid * ept, ept)], w_v,
            sem_in),
    ]
    for dsc in dins:
        dsc.start()

    @pl.loop(0, ROWS, unroll=4)
    def _(r):
        tab_v[r] = zeros

    @pl.loop(0, C // L)
    def _(r):
        idxa_v[pl.ds(r * L, L)] = iota + r * L

    idxb_v[...] = iota + C

    @pl.when(sid == 0)
    def _():
        pltpu.sync_copy(tab_v, shared)
    plsc.subcore_barrier()

    for dsc in dins:
        dsc.wait()

    @plsc.parallel_loop(0, ngrp, unroll=2)
    def _(g):
        j = g >> 3
        o = (g & 7) * L
        s16 = seg_v[j, pl.ds(o, L)]
        es = [emb_v[d, j, pl.ds(o, L)] for d in range(D)]
        for d in range(D):
            plsc.addupdate_scatter(tab_v, [s16, cols[d]], es[d])
        plsc.addupdate_scatter(tab_v, [C + (s16 >> 4), s16 & (L - 1)], ones)

    dred = [
        pltpu.make_async_copy(tab_v.at[pl.ds(0, C)], shared.at[idxa_v],
                              sem_in),
        pltpu.make_async_copy(tab_v.at[pl.ds(C, L)], shared.at[idxb_v],
                              sem_in),
    ]
    for dsc in dred:
        dsc.start(add=True)
    for dsc in dred:
        dsc.wait()
    plsc.subcore_barrier()

    pltpu.sync_copy(shared, tab_v)

    @plsc.parallel_loop(0, C // L, carry=jnp.full((L,), -1, jnp.int32))
    def maxc(grp, mc):
        rows = iota + grp * L
        vs = [plsc.load_gather(tab_v, [rows, cols[d]]) for d in range(D)]
        nsq = _tree_sum([v * v for v in vs])
        rs = _rsqrt(jnp.maximum(nsq, 1e-20))
        for d in range(D):
            plsc.store_scatter(tab_v, [rows, cols[d]], vs[d] * rs)
        cnt = tab_v[C + grp]
        tab_v[C + L // 2 + grp] = 1.0 / cnt
        return jnp.maximum(mc, jnp.where(cnt > 0.0, rows, -1))

    @plsc.parallel_loop(0, ngrp, unroll=2, carry=zeros)
    def intra(g, acc):
        j = g >> 3
        o = (g & 7) * L
        s16 = seg_v[j, pl.ds(o, L)]
        es = [emb_v[d, j, pl.ds(o, L)] for d in range(D)]
        ms = [plsc.load_gather(tab_v, [s16, cols[d]]) for d in range(D)]
        inv16 = plsc.load_gather(tab_v,
                                 [C + L // 2 + (s16 >> 4), s16 & (L - 1)])
        dot = _tree_sum([e * m for e, m in zip(es, ms)])
        return acc + jnp.maximum((1.0 - DELTA_VAR) - dot, 0.0) * inv16

    inter = zeros
    for k in range(ept // L):
        a = plsc.bitcast(e0_v[pl.ds(k * L, L)], jnp.int32)
        b = plsc.bitcast(e1_v[pl.ds(k * L, L)], jnp.int32)
        mas = [plsc.load_gather(tab_v, [a, cols[d]]) for d in range(D)]
        mbs = [plsc.load_gather(tab_v, [b, cols[d]]) for d in range(D)]
        dd = _tree_sum([x * y for x, y in zip(mas, mbs)])
        wk = w_v[pl.ds(k * L, L)]
        inter = inter + jnp.maximum(DELTA_DIST - wk * (1.0 - dd), 0.0)

    c_div = jnp.broadcast_to(jnp.max(maxc) + 1, (L,)).astype(jnp.float32)

    inv_e = 1.0 / float(ept * NS)
    row_v[...] = BETA * (intra / c_div) + (ALPHA * inv_e) * inter
    pltpu.sync_copy(row_v, out_hbm.at[wid])


@jax.jit
def _run(emb, seg, pack):
    b, d, h, wdim = emb.shape
    pix = h * wdim // NS
    ept = pack.shape[1] // 3 // NS
    kern = pl.kernel(
        _body,
        out_type=jax.ShapeDtypeStruct((NC * NS, L), jnp.float32),
        mesh=plsc.VectorSubcoreMesh(core_axis_name="c", subcore_axis_name="s"),
        compiler_params=pltpu.CompilerParams(
            needs_layout_passes=False, use_tc_tiling_on_sc=False),
        scratch_types=[
            pltpu.VMEM((D, pix // 128, 128), jnp.float32),
            pltpu.VMEM((pix // 128, 128), jnp.int32),
            pltpu.VMEM((ROWS, L), jnp.float32),
            pltpu.VMEM((ept,), jnp.float32),
            pltpu.VMEM((ept,), jnp.float32),
            pltpu.VMEM((ept,), jnp.float32),
            pltpu.VMEM((C,), jnp.int32),
            pltpu.VMEM((L,), jnp.int32),
            pltpu.VMEM((L,), jnp.float32),
            pltpu.VMEM_SHARED((ROWS, L), jnp.float32),
            pltpu.SemaphoreType.DMA,
        ],
    )
    out = kern(emb, seg, pack)
    return jnp.sum(out)


def kernel(embeddings, sp_seg, edges, weights, chunks=4):
    b = embeddings.shape[0]
    ef = jax.lax.bitcast_convert_type(edges.astype(jnp.int32), jnp.float32)
    pack = jnp.concatenate([ef[:, 0, :], ef[:, 1, :], weights], axis=1)
    return _run(embeddings, sp_seg.astype(jnp.int32), pack)

# --- scband reference (transcript-rebuilt; emitter-appended) ---
"""Pipeline reference for scband-rag-contrastive-weights-56882546868664 (READ-ONLY COPY).

The authoritative reference and input builder live on the scoring server;
editing this copy changes nothing except your own understanding.
"""

import jax, jax.numpy as jnp
import numpy as np

DELTA_VAR = 0.5
DELTA_DIST = 1.5
ALPHA = 1.0
BETA = 1.0


def setup_inputs(seed: int = 0) -> dict:
    key = jax.random.key(seed)
    k1, k2, k3, k4 = jax.random.split(key, 4)
    B, D, H, W = 2, 16, 128, 128
    C, E = 128, 512
    embeddings = jax.random.normal(k1, (B, D, H, W), dtype=jnp.float32)
    sp_seg = jax.random.randint(k2, (B, 1, H, W), 0, C)
    edges = jax.random.randint(k3, (B, 2, E), 0, C)
    weights = jax.random.uniform(k4, (B, E), dtype=jnp.float32)
    return {"embeddings": embeddings, "sp_seg": sp_seg, "edges": edges, "weights": weights, "chunks": 4}


def _mean_and_dist(s_seg, s_emb, sp_ids_chunk, C):
    # mask: [n, 1, H, W]
    mask = (sp_ids_chunk[:, None, None, None] == s_seg[None]).astype(s_emb.dtype)
    n_pix = mask.reshape(mask.shape[0], -1).sum(1)  # [n]
    masked = mask * s_emb[None]  # [n, D, H, W]
    mt = jnp.swapaxes(masked, 0, 1)  # [D, n, H, W]
    sp_means = mt.reshape(mt.shape[0], mt.shape[1], -1).sum(-1) / n_pix[None]  # [D, n]
    sp_means = sp_means / jnp.clip(jnp.linalg.norm(sp_means, axis=0, keepdims=True), 1e-10, None)
    intra = 1.0 - (sp_means[:, :, None, None] * mt).sum(0)  # [n, H, W]
    intra = jnp.clip(intra - DELTA_VAR, 0.0, None) / n_pix[:, None, None]
    mbool = mask.astype(bool)[:, 0]  # squeeze channel dim -> [n, H, W]
    intra = jnp.where(mbool, intra, jnp.zeros_like(intra)).sum() / C
    return sp_means, intra


def reference(embeddings, sp_seg, edges, weights, chunks=4):
    B = embeddings.shape[0]
    C_static = sp_seg.shape[2]
    chunks_static = 4
    loss = jnp.zeros((1,), dtype=embeddings.dtype)
    for i in range(B):
        s_emb = embeddings[i]
        s_seg = sp_seg[i]
        s_edges = edges[i]
        C = s_seg.max() + 1
        sp_ids = jnp.unique(sp_seg, size=C_static)  # note: batch-level unique, as in the original
        slc_sz = C_static // chunks_static
        means_list, intra_list = [], []
        for step in range(chunks_static):
            start = (C_static // chunks) * step
            ids_chunk = jax.lax.dynamic_slice_in_dim(sp_ids, start, slc_sz)
            m, d = _mean_and_dist(s_seg, s_emb, ids_chunk, C)
            means_list.append(m)
            intra_list.append(d)
        sp_means = jnp.concatenate(means_list, axis=1)  # [D, C]
        intra_sp_dist = jnp.stack(intra_list).sum()
        edge_feats = sp_means.T[s_edges]  # [2, E, D]
        inter_sp_dist = 1.0 - (edge_feats[0] * edge_feats[1]).sum(axis=1)  # [E]
        inter_sp_dist = inter_sp_dist * weights[i]
        inter_sp_dist = jnp.clip(DELTA_DIST - inter_sp_dist, 0.0, None)
        inter_sp_dist = inter_sp_dist.sum() / s_edges.shape[1]
        loss = loss + ALPHA * inter_sp_dist + BETA * intra_sp_dist
    return loss.mean()

if __name__ == "__main__":
    import jax
    _d = setup_inputs()
    print(jax.jit(kernel)(*tuple(_d.values())))

</pallas_src>

<mosaic_0001>
#map = affine_map<(d0, d1) -> (0, 0, 0, 0)>
#map1 = affine_map<(d0, d1) -> (0, 0)>
module attributes {stable_mosaic.version = 14 : i64} {
  func.func @_body(%arg0: i32, %arg1: i32, %arg2: memref<2x16x128x128xf32, #tpu.memory_space<hbm>>, %arg3: memref<2x1x128x128xi32, #tpu.memory_space<hbm>>, %arg4: memref<2x1536xf32, #tpu.memory_space<hbm>>, %arg5: memref<32x16xf32, #tpu.memory_space<hbm>>, %arg6: memref<16x8x128xf32, #tpu.memory_space<vmem>>, %arg7: memref<8x128xi32, #tpu.memory_space<vmem>>, %arg8: memref<144x16xf32, #tpu.memory_space<vmem>>, %arg9: memref<32xf32, #tpu.memory_space<vmem>>, %arg10: memref<32xf32, #tpu.memory_space<vmem>>, %arg11: memref<32xf32, #tpu.memory_space<vmem>>, %arg12: memref<128xi32, #tpu.memory_space<vmem>>, %arg13: memref<16xi32, #tpu.memory_space<vmem>>, %arg14: memref<16xf32, #tpu.memory_space<vmem>>, %arg15: memref<144x16xf32, #tpu.memory_space<vmem_shared>>, %arg16: memref<!tpu.dma_semaphore, #tpu.memory_space<semaphore_mem>>) attributes {dimension_semantics = [#tpu.dimension_semantics<core_parallel>, #tpu.dimension_semantics<subcore_parallel>], iteration_bounds = array<i64: 2, 16>, scalar_prefetch = 0 : i64, scratch_operands = 11 : i64, tpu.core_type = #tpu.core_type<sc_vector_subcore>, window_params = [{transform_indices = #map}, {transform_indices = #map}, {transform_indices = #map1}, {transform_indices = #map1}]} {
    %mul3A = arith.constant 16 : i32
    %mul3A_0 = arith.muli %arg0, %mul3A : i32
    %add3A = arith.addi %mul3A_0, %arg1 : i32
    %iota3A = tpu.iota {dimensions = array<i32: 0>} : vector<16xi32>
    %broadcast_in_dim3A = arith.constant 0.000000e+00 : f32
    %broadcast_in_dim3A_1 = vector.broadcast %broadcast_in_dim3A : f32 to vector<16xf32>
    %broadcast_in_dim3A_2 = arith.constant 1.000000e+00 : f32
    %broadcast_in_dim3A_3 = vector.broadcast %broadcast_in_dim3A_2 : f32 to vector<16xf32>
    %broadcast_in_dim3A_4 = arith.constant 0 : i32
    %broadcast_in_dim3A_5 = vector.broadcast %broadcast_in_dim3A_4 : i32 to vector<16xi32>
    %broadcast_in_dim3A_6 = arith.constant 1 : i32
    %broadcast_in_dim3A_7 = vector.broadcast %broadcast_in_dim3A_6 : i32 to vector<16xi32>
    %broadcast_in_dim3A_8 = arith.constant 2 : i32
    %broadcast_in_dim3A_9 = vector.broadcast %broadcast_in_dim3A_8 : i32 to vector<16xi32>
    %broadcast_in_dim3A_10 = arith.constant 3 : i32
    %broadcast_in_dim3A_11 = vector.broadcast %broadcast_in_dim3A_10 : i32 to vector<16xi32>
    %broadcast_in_dim3A_12 = arith.constant 4 : i32
    %broadcast_in_dim3A_13 = vector.broadcast %broadcast_in_dim3A_12 : i32 to vector<16xi32>
    %broadcast_in_dim3A_14 = arith.constant 5 : i32
    %broadcast_in_dim3A_15 = vector.broadcast %broadcast_in_dim3A_14 : i32 to vector<16xi32>
    %broadcast_in_dim3A_16 = arith.constant 6 : i32
    %broadcast_in_dim3A_17 = vector.broadcast %broadcast_in_dim3A_16 : i32 to vector<16xi32>
    %broadcast_in_dim3A_18 = arith.constant 7 : i32
    %broadcast_in_dim3A_19 = vector.broadcast %broadcast_in_dim3A_18 : i32 to vector<16xi32>
    %broadcast_in_dim3A_20 = arith.constant 8 : i32
    %broadcast_in_dim3A_21 = vector.broadcast %broadcast_in_dim3A_20 : i32 to vector<16xi32>
    %broadcast_in_dim3A_22 = arith.constant 9 : i32
    %broadcast_in_dim3A_23 = vector.broadcast %broadcast_in_dim3A_22 : i32 to vector<16xi32>
    %broadcast_in_dim3A_24 = arith.constant 10 : i32
    %broadcast_in_dim3A_25 = vector.broadcast %broadcast_in_dim3A_24 : i32 to vector<16xi32>
    %broadcast_in_dim3A_26 = arith.constant 11 : i32
    %broadcast_in_dim3A_27 = vector.broadcast %broadcast_in_dim3A_26 : i32 to vector<16xi32>
    %broadcast_in_dim3A_28 = arith.constant 12 : i32
    %broadcast_in_dim3A_29 = vector.broadcast %broadcast_in_dim3A_28 : i32 to vector<16xi32>
    %broadcast_in_dim3A_30 = arith.constant 13 : i32
    %broadcast_in_dim3A_31 = vector.broadcast %broadcast_in_dim3A_30 : i32 to vector<16xi32>
    %broadcast_in_dim3A_32 = arith.constant 14 : i32
    %broadcast_in_dim3A_33 = vector.broadcast %broadcast_in_dim3A_32 : i32 to vector<16xi32>
    %broadcast_in_dim3A_34 = arith.constant 15 : i32
    %broadcast_in_dim3A_35 = vector.broadcast %broadcast_in_dim3A_34 : i32 to vector<16xi32>
    %mul3A_36 = arith.constant 8 : i32
    %mul3A_37 = arith.muli %arg1, %mul3A_36 : i32
    %mul3A_38 = arith.constant 8 : i32
    %mul3A_39 = arith.muli %arg1, %mul3A_38 : i32
    %mul3A_40 = arith.constant 32 : i32
    %mul3A_41 = arith.muli %arg1, %mul3A_40 : i32
    %mul3A_42 = arith.constant 32 : i32
    %mul3A_43 = arith.muli %arg1, %mul3A_42 : i32
    %add3A_44 = arith.constant 512 : i32
    %add3A_45 = arith.addi %add3A_44, %mul3A_43 : i32
    %mul3A_46 = arith.constant 32 : i32
    %mul3A_47 = arith.muli %arg1, %mul3A_46 : i32
    %add3A_48 = arith.constant 1024 : i32
    %add3A_49 = arith.addi %add3A_48, %mul3A_47 : i32
    %dma_start3A = arith.constant 0 : i32
    %dma_start3A_50 = arith.constant 0 : i32
    %dma_start3A_51 = tpu.memref_slice %arg2[%arg0, %dma_start3A, %mul3A_37, %dma_start3A_50] : memref<2x16x128x128xf32, #tpu.memory_space<hbm>> -> memref<1x16x8x128xf32, #tpu.memory_space<hbm>>
    %dma_start3A_52 = tpu.memref_squeeze %dma_start3A_51 : memref<1x16x8x128xf32, #tpu.memory_space<hbm>> -> memref<16x8x128xf32, #tpu.memory_space<hbm>>
    %dma_start3A_53 = arith.constant 0 : i32
    %dma_start3A_54 = arith.constant 0 : i32
    %dma_start3A_55 = tpu.memref_slice %arg2[%arg0, %dma_start3A_53, %mul3A_37, %dma_start3A_54] : memref<2x16x128x128xf32, #tpu.memory_space<hbm>> -> memref<1x16x8x128xf32, #tpu.memory_space<hbm>>
    %dma_start3A_56 = tpu.memref_squeeze %dma_start3A_55 : memref<1x16x8x128xf32, #tpu.memory_space<hbm>> -> memref<16x8x128xf32, #tpu.memory_space<hbm>>
    tpu.enqueue_dma source(%dma_start3A_56 : memref<16x8x128xf32, #tpu.memory_space<hbm>>) target(%arg6 : memref<16x8x128xf32, #tpu.memory_space<vmem>>) target_semaphore(%arg16 : memref<!tpu.dma_semaphore, #tpu.memory_space<semaphore_mem>>)
    %dma_start3A_57 = arith.constant 0 : i32
    %dma_start3A_58 = arith.constant 0 : i32
    %dma_start3A_59 = tpu.memref_slice %arg3[%arg0, %dma_start3A_57, %mul3A_39, %dma_start3A_58] : memref<2x1x128x128xi32, #tpu.memory_space<hbm>> -> memref<1x1x8x128xi32, #tpu.memory_space<hbm>>
    %dma_start3A_60 = tpu.memref_squeeze %dma_start3A_59 : memref<1x1x8x128xi32, #tpu.memory_space<hbm>> -> memref<8x128xi32, #tpu.memory_space<hbm>>
    %dma_start3A_61 = arith.constant 0 : i32
    %dma_start3A_62 = tpu.memref_slice %arg3[%arg0, %dma_start3A_57, %mul3A_39, %dma_start3A_61] : memref<2x1x128x128xi32, #tpu.memory_space<hbm>> -> memref<1x1x8x128xi32, #tpu.memory_space<hbm>>
    %dma_start3A_63 = tpu.memref_squeeze %dma_start3A_62 : memref<1x1x8x128xi32, #tpu.memory_space<hbm>> -> memref<8x128xi32, #tpu.memory_space<hbm>>
    tpu.enqueue_dma source(%dma_start3A_63 : memref<8x128xi32, #tpu.memory_space<hbm>>) target(%arg7 : memref<8x128xi32, #tpu.memory_space<vmem>>) target_semaphore(%arg16 : memref<!tpu.dma_semaphore, #tpu.memory_space<semaphore_mem>>)
    %dma_start3A_64 = tpu.memref_slice %arg4[%arg0, %mul3A_41] : memref<2x1536xf32, #tpu.memory_space<hbm>> -> memref<1x32xf32, #tpu.memory_space<hbm>>
    %dma_start3A_65 = tpu.memref_squeeze %dma_start3A_64 : memref<1x32xf32, #tpu.memory_space<hbm>> -> memref<32xf32, #tpu.memory_space<hbm>>
    %dma_start3A_66 = tpu.memref_slice %arg4[%arg0, %mul3A_41] : memref<2x1536xf32, #tpu.memory_space<hbm>> -> memref<1x32xf32, #tpu.memory_space<hbm>>
    %dma_start3A_67 = tpu.memref_squeeze %dma_start3A_66 : memref<1x32xf32, #tpu.memory_space<hbm>> -> memref<32xf32, #tpu.memory_space<hbm>>
    tpu.enqueue_dma source(%dma_start3A_67 : memref<32xf32, #tpu.memory_space<hbm>>) target(%arg9 : memref<32xf32, #tpu.memory_space<vmem>>) target_semaphore(%arg16 : memref<!tpu.dma_semaphore, #tpu.memory_space<semaphore_mem>>)
    %dma_start3A_68 = tpu.memref_slice %arg4[%arg0, %add3A_45] : memref<2x1536xf32, #tpu.memory_space<hbm>> -> memref<1x32xf32, #tpu.memory_space<hbm>>
    %dma_start3A_69 = tpu.memref_squeeze %dma_start3A_68 : memref<1x32xf32, #tpu.memory_space<hbm>> -> memref<32xf32, #tpu.memory_space<hbm>>
    %dma_start3A_70 = tpu.memref_slice %arg4[%arg0, %add3A_45] : memref<2x1536xf32, #tpu.memory_space<hbm>> -> memref<1x32xf32, #tpu.memory_space<hbm>>
    %dma_start3A_71 = tpu.memref_squeeze %dma_start3A_70 : memref<1x32xf32, #tpu.memory_space<hbm>> -> memref<32xf32, #tpu.memory_space<hbm>>
    tpu.enqueue_dma source(%dma_start3A_71 : memref<32xf32, #tpu.memory_space<hbm>>) target(%arg10 : memref<32xf32, #tpu.memory_space<vmem>>) target_semaphore(%arg16 : memref<!tpu.dma_semaphore, #tpu.memory_space<semaphore_mem>>)
    %dma_start3A_72 = tpu.memref_slice %arg4[%arg0, %add3A_49] : memref<2x1536xf32, #tpu.memory_space<hbm>> -> memref<1x32xf32, #tpu.memory_space<hbm>>
    %dma_start3A_73 = tpu.memref_squeeze %dma_start3A_72 : memref<1x32xf32, #tpu.memory_space<hbm>> -> memref<32xf32, #tpu.memory_space<hbm>>
    %dma_start3A_74 = tpu.memref_slice %arg4[%arg0, %add3A_49] : memref<2x1536xf32, #tpu.memory_space<hbm>> -> memref<1x32xf32, #tpu.memory_space<hbm>>
    %dma_start3A_75 = tpu.memref_squeeze %dma_start3A_74 : memref<1x32xf32, #tpu.memory_space<hbm>> -> memref<32xf32, #tpu.memory_space<hbm>>
    tpu.enqueue_dma source(%dma_start3A_75 : memref<32xf32, #tpu.memory_space<hbm>>) target(%arg11 : memref<32xf32, #tpu.memory_space<vmem>>) target_semaphore(%arg16 : memref<!tpu.dma_semaphore, #tpu.memory_space<semaphore_mem>>)
    %scan3A = arith.constant 0 : i32
    %scan3A_76 = arith.constant 144 : i32
    %scan3A_77 = arith.addi %scan3A, %scan3A_76 : i32
    %scan3A_78 = arith.constant 4 : i32
    scf.for %scan3A_333 = %scan3A to %scan3A_77 step %scan3A_78  : i32 {
      %mul3A_334 = arith.constant 1 : i32
      %mul3A_335 = arith.muli %scan3A_333, %mul3A_334 : i32
      %add3A_336 = arith.constant 0 : i32
      %add3A_337 = arith.addi %add3A_336, %mul3A_335 : i32
      %swap3A_338 = arith.index_cast %add3A_337 : i32 to index
      %swap3A_339 = arith.constant 0 : index
      %swap3A_340 = tpu.vector_load %arg8[%swap3A_338, %swap3A_339] {strides = array<i32>} : memref<144x16xf32, #tpu.memory_space<vmem>>, vector<16xf32>,
      tpu.vector_store %arg8[%swap3A_338, %swap3A_339], %broadcast_in_dim3A_1 {strides = array<i32>} : memref<144x16xf32, #tpu.memory_space<vmem>>, vector<16xf32>,
      %scan3A_341 = arith.constant 1 : i32
      %scan3A_342 = arith.addi %scan3A_333, %scan3A_341 : i32
      %mul3A_343 = arith.constant 1 : i32
      %mul3A_344 = arith.muli %scan3A_342, %mul3A_343 : i32
      %add3A_345 = arith.constant 0 : i32
      %add3A_346 = arith.addi %add3A_345, %mul3A_344 : i32
      %swap3A_347 = arith.index_cast %add3A_346 : i32 to index
      %swap3A_348 = arith.constant 0 : index
      %swap3A_349 = tpu.vector_load %arg8[%swap3A_347, %swap3A_348] {strides = array<i32>} : memref<144x16xf32, #tpu.memory_space<vmem>>, vector<16xf32>,
      tpu.vector_store %arg8[%swap3A_347, %swap3A_348], %broadcast_in_dim3A_1 {strides = array<i32>} : memref<144x16xf32, #tpu.memory_space<vmem>>, vector<16xf32>,
      %scan3A_350 = arith.constant 2 : i32
      %scan3A_351 = arith.addi %scan3A_333, %scan3A_350 : i32
      %mul3A_352 = arith.constant 1 : i32
      %mul3A_353 = arith.muli %scan3A_351, %mul3A_352 : i32
      %add3A_354 = arith.constant 0 : i32
      %add3A_355 = arith.addi %add3A_354, %mul3A_353 : i32
      %swap3A_356 = arith.index_cast %add3A_355 : i32 to index
      %swap3A_357 = arith.constant 0 : index
      %swap3A_358 = tpu.vector_load %arg8[%swap3A_356, %swap3A_357] {strides = array<i32>} : memref<144x16xf32, #tpu.memory_space<vmem>>, vector<16xf32>,
      tpu.vector_store %arg8[%swap3A_356, %swap3A_357], %broadcast_in_dim3A_1 {strides = array<i32>} : memref<144x16xf32, #tpu.memory_space<vmem>>, vector<16xf32>,
      %scan3A_359 = arith.constant 3 : i32
      %scan3A_360 = arith.addi %scan3A_333, %scan3A_359 : i32
      %mul3A_361 = arith.constant 1 : i32
      %mul3A_362 = arith.muli %scan3A_360, %mul3A_361 : i32
      %add3A_363 = arith.constant 0 : i32
      %add3A_364 = arith.addi %add3A_363, %mul3A_362 : i32
      %swap3A_365 = arith.index_cast %add3A_364 : i32 to index
      %swap3A_366 = arith.constant 0 : index
      %swap3A_367 = tpu.vector_load %arg8[%swap3A_365, %swap3A_366] {strides = array<i32>} : memref<144x16xf32, #tpu.memory_space<vmem>>, vector<16xf32>,
      tpu.vector_store %arg8[%swap3A_365, %swap3A_366], %broadcast_in_dim3A_1 {strides = array<i32>} : memref<144x16xf32, #tpu.memory_space<vmem>>, vector<16xf32>,
    }
    %scan3A_79 = arith.constant 144 : i32
    %scan3A_80 = arith.constant 0 : i32
    %scan3A_81 = arith.constant 8 : i32
    %scan3A_82 = arith.addi %scan3A_80, %scan3A_81 : i32
    %scan3A_83 = arith.constant 1 : i32
    scf.for %scan3A_333 = %scan3A_80 to %scan3A_82 step %scan3A_83  : i32 {
      %mul3A_334 = arith.constant 1 : i32
      %mul3A_335 = arith.muli %scan3A_333, %mul3A_334 : i32
      %add3A_336 = arith.constant 0 : i32
      %add3A_337 = arith.addi %add3A_336, %mul3A_335 : i32
      %mul3A_338 = arith.constant 16 : i32
      %mul3A_339 = arith.muli %add3A_337, %mul3A_338 : i32
      %add3A_340 = vector.broadcast %mul3A_339 : i32 to vector<16xi32>
      %add3A_341 = arith.addi %iota3A, %add3A_340 : vector<16xi32>
      %mul3A_342 = arith.constant 16 : i32
      %mul3A_343 = arith.muli %add3A_337, %mul3A_342 : i32
      %swap3A_344 = arith.index_cast %mul3A_343 : i32 to index
      %swap3A_345 = tpu.vector_load %arg12[%swap3A_344] {strides = array<i32>} : memref<128xi32, #tpu.memory_space<vmem>>, vector<16xi32>,
      tpu.vector_store %arg12[%swap3A_344], %add3A_341 {strides = array<i32>} : memref<128xi32, #tpu.memory_space<vmem>>, vector<16xi32>,
    }
    %scan3A_84 = arith.constant 8 : i32
    %add3A_85 = arith.constant 128 : i32
    %add3A_86 = vector.broadcast %add3A_85 : i32 to vector<16xi32>
    %add3A_87 = arith.addi %iota3A, %add3A_86 : vector<16xi32>
    %swap3A = arith.constant 0 : index
    %swap3A_88 = tpu.vector_load %arg13[%swap3A] {strides = array<i32>} : memref<16xi32, #tpu.memory_space<vmem>>, vector<16xi32>,
    tpu.vector_store %arg13[%swap3A], %add3A_87 {strides = array<i32>} : memref<16xi32, #tpu.memory_space<vmem>>, vector<16xi32>,
    %eq3A = arith.constant 0 : i32
    %eq3A_89 = arith.cmpi eq, %arg1, %eq3A : i32
    %convert_element_type3A = arith.extui %eq3A_89 : i1 to i32
    %cond3A = arith.constant 0 : i32
    %cond3A_90 = arith.cmpi ne, %convert_element_type3A, %cond3A : i32
    scf.if %cond3A_90 {
      "tpu.region"() ({
        %run_scoped3A = tpu.sem_alloc : memref<!tpu.dma_semaphore, #tpu.memory_space<semaphore_mem>>
        tpu.enqueue_dma source(%arg8 : memref<144x16xf32, #tpu.memory_space<vmem>>) target(%arg15 : memref<144x16xf32, #tpu.memory_space<vmem_shared>>) target_semaphore(%run_scoped3A : memref<!tpu.dma_semaphore, #tpu.memory_space<semaphore_mem>>)
        tpu.wait_dma2 semaphore(%run_scoped3A : memref<!tpu.dma_semaphore, #tpu.memory_space<semaphore_mem>>) src(%arg8 : memref<144x16xf32, #tpu.memory_space<vmem>>) dst(%arg15 : memref<144x16xf32, #tpu.memory_space<vmem_shared>>)
        tpu.yield
      }) : () -> ()
    } else {
    }
    %barrier3A = arith.constant 0 : index
    tpu.barrier barrier_id(%barrier3A)
    %dma_wait3A = arith.constant 0 : i32
    %dma_wait3A_91 = arith.constant 0 : i32
    %dma_wait3A_92 = tpu.memref_slice %arg2[%arg0, %dma_wait3A, %mul3A_37, %dma_wait3A_91] : memref<2x16x128x128xf32, #tpu.memory_space<hbm>> -> memref<1x16x8x128xf32, #tpu.memory_space<hbm>>
    %dma_wait3A_93 = tpu.memref_squeeze %dma_wait3A_92 : memref<1x16x8x128xf32, #tpu.memory_space<hbm>> -> memref<16x8x128xf32, #tpu.memory_space<hbm>>
    %dma_wait3A_94 = arith.constant 0 : i32
    %dma_wait3A_95 = arith.constant 0 : i32
    %dma_wait3A_96 = tpu.memref_slice %arg2[%arg0, %dma_wait3A_94, %mul3A_37, %dma_wait3A_95] : memref<2x16x128x128xf32, #tpu.memory_space<hbm>> -> memref<1x16x8x128xf32, #tpu.memory_space<hbm>>
    %dma_wait3A_97 = tpu.memref_squeeze %dma_wait3A_96 : memref<1x16x8x128xf32, #tpu.memory_space<hbm>> -> memref<16x8x128xf32, #tpu.memory_space<hbm>>
    tpu.wait_dma2 semaphore(%arg16 : memref<!tpu.dma_semaphore, #tpu.memory_space<semaphore_mem>>) src(%dma_wait3A_97 : memref<16x8x128xf32, #tpu.memory_space<hbm>>) dst(%arg6 : memref<16x8x128xf32, #tpu.memory_space<vmem>>)
    %dma_wait3A_98 = arith.constant 0 : i32
    %dma_wait3A_99 = arith.constant 0 : i32
    %dma_wait3A_100 = tpu.memref_slice %arg3[%arg0, %dma_wait3A_98, %mul3A_39, %dma_wait3A_99] : memref<2x1x128x128xi32, #tpu.memory_space<hbm>> -> memref<1x1x8x128xi32, #tpu.memory_space<hbm>>
    %dma_wait3A_101 = tpu.memref_squeeze %dma_wait3A_100 : memref<1x1x8x128xi32, #tpu.memory_space<hbm>> -> memref<8x128xi32, #tpu.memory_space<hbm>>
    %dma_wait3A_102 = arith.constant 0 : i32
    %dma_wait3A_103 = tpu.memref_slice %arg3[%arg0, %dma_wait3A_98, %mul3A_39, %dma_wait3A_102] : memref<2x1x128x128xi32, #tpu.memory_space<hbm>> -> memref<1x1x8x128xi32, #tpu.memory_space<hbm>>
    %dma_wait3A_104 = tpu.memref_squeeze %dma_wait3A_103 : memref<1x1x8x128xi32, #tpu.memory_space<hbm>> -> memref<8x128xi32, #tpu.memory_space<hbm>>
    tpu.wait_dma2 semaphore(%arg16 : memref<!tpu.dma_semaphore, #tpu.memory_space<semaphore_mem>>) src(%dma_wait3A_104 : memref<8x128xi32, #tpu.memory_space<hbm>>) dst(%arg7 : memref<8x128xi32, #tpu.memory_space<vmem>>)
    %dma_wait3A_105 = tpu.memref_slice %arg4[%arg0, %mul3A_41] : memref<2x1536xf32, #tpu.memory_space<hbm>> -> memref<1x32xf32, #tpu.memory_space<hbm>>
    %dma_wait3A_106 = tpu.memref_squeeze %dma_wait3A_105 : memref<1x32xf32, #tpu.memory_space<hbm>> -> memref<32xf32, #tpu.memory_space<hbm>>
    %dma_wait3A_107 = tpu.memref_slice %arg4[%arg0, %mul3A_41] : memref<2x1536xf32, #tpu.memory_space<hbm>> -> memref<1x32xf32, #tpu.memory_space<hbm>>
    %dma_wait3A_108 = tpu.memref_squeeze %dma_wait3A_107 : memref<1x32xf32, #tpu.memory_space<hbm>> -> memref<32xf32, #tpu.memory_space<hbm>>
    tpu.wait_dma2 semaphore(%arg16 : memref<!tpu.dma_semaphore, #tpu.memory_space<semaphore_mem>>) src(%dma_wait3A_108 : memref<32xf32, #tpu.memory_space<hbm>>) dst(%arg9 : memref<32xf32, #tpu.memory_space<vmem>>)
    %dma_wait3A_109 = tpu.memref_slice %arg4[%arg0, %add3A_45] : memref<2x1536xf32, #tpu.memory_space<hbm>> -> memref<1x32xf32, #tpu.memory_space<hbm>>
    %dma_wait3A_110 = tpu.memref_squeeze %dma_wait3A_109 : memref<1x32xf32, #tpu.memory_space<hbm>> -> memref<32xf32, #tpu.memory_space<hbm>>
    %dma_wait3A_111 = tpu.memref_slice %arg4[%arg0, %add3A_45] : memref<2x1536xf32, #tpu.memory_space<hbm>> -> memref<1x32xf32, #tpu.memory_space<hbm>>
    %dma_wait3A_112 = tpu.memref_squeeze %dma_wait3A_111 : memref<1x32xf32, #tpu.memory_space<hbm>> -> memref<32xf32, #tpu.memory_space<hbm>>
    tpu.wait_dma2 semaphore(%arg16 : memref<!tpu.dma_semaphore, #tpu.memory_space<semaphore_mem>>) src(%dma_wait3A_112 : memref<32xf32, #tpu.memory_space<hbm>>) dst(%arg10 : memref<32xf32, #tpu.memory_space<vmem>>)
    %dma_wait3A_113 = tpu.memref_slice %arg4[%arg0, %add3A_49] : memref<2x1536xf32, #tpu.memory_space<hbm>> -> memref<1x32xf32, #tpu.memory_space<hbm>>
    %dma_wait3A_114 = tpu.memref_squeeze %dma_wait3A_113 : memref<1x32xf32, #tpu.memory_space<hbm>> -> memref<32xf32, #tpu.memory_space<hbm>>
    %dma_wait3A_115 = tpu.memref_slice %arg4[%arg0, %add3A_49] : memref<2x1536xf32, #tpu.memory_space<hbm>> -> memref<1x32xf32, #tpu.memory_space<hbm>>
    %dma_wait3A_116 = tpu.memref_squeeze %dma_wait3A_115 : memref<1x32xf32, #tpu.memory_space<hbm>> -> memref<32xf32, #tpu.memory_space<hbm>>
    tpu.wait_dma2 semaphore(%arg16 : memref<!tpu.dma_semaphore, #tpu.memory_space<semaphore_mem>>) src(%dma_wait3A_116 : memref<32xf32, #tpu.memory_space<hbm>>) dst(%arg11 : memref<32xf32, #tpu.memory_space<vmem>>)
    %parallel_loop3A = arith.constant 0 : i32
    %parallel_loop3A_117 = arith.constant 64 : i32
    %parallel_loop3A_118 = arith.constant 1 : i32
    scf.for %parallel_loop3A_333 = %parallel_loop3A to %parallel_loop3A_117 step %parallel_loop3A_118  : i32 {
      %parallel_loop3A_334 = arith.constant 3 : i32
      %parallel_loop3A_335 = arith.shrsi %parallel_loop3A_333, %parallel_loop3A_334 : i32
      %parallel_loop3A_336 = arith.constant 7 : i32
      %parallel_loop3A_337 = arith.andi %parallel_loop3A_333, %parallel_loop3A_336 : i32
      %parallel_loop3A_338 = arith.constant 16 : i32
      %parallel_loop3A_339 = arith.muli %parallel_loop3A_337, %parallel_loop3A_338 : i32
      %parallel_loop3A_340 = arith.index_cast %parallel_loop3A_335 : i32 to index
      %parallel_loop3A_341 = arith.index_cast %parallel_loop3A_339 : i32 to index
      %parallel_loop3A_342 = tpu.vector_load %arg7[%parallel_loop3A_340, %parallel_loop3A_341] {strides = array<i32>} : memref<8x128xi32, #tpu.memory_space<vmem>>, vector<16xi32>,
      %parallel_loop3A_343 = arith.constant 0 : i32
      %parallel_loop3A_344 = arith.index_cast %parallel_loop3A_343 : i32 to index
      %parallel_loop3A_345 = arith.index_cast %parallel_loop3A_335 : i32 to index
      %parallel_loop3A_346 = arith.index_cast %parallel_loop3A_339 : i32 to index
      %parallel_loop3A_347 = tpu.vector_load %arg6[%parallel_loop3A_344, %parallel_loop3A_345, %parallel_loop3A_346] {strides = array<i32>} : memref<16x8x128xf32, #tpu.memory_space<vmem>>, vector<16xf32>,
      %parallel_loop3A_348 = arith.constant 1 : i32
      %parallel_loop3A_349 = arith.index_cast %parallel_loop3A_348 : i32 to index
      %parallel_loop3A_350 = arith.index_cast %parallel_loop3A_335 : i32 to index
      %parallel_loop3A_351 = arith.index_cast %parallel_loop3A_339 : i32 to index
      %parallel_loop3A_352 = tpu.vector_load %arg6[%parallel_loop3A_349, %parallel_loop3A_350, %parallel_loop3A_351] {strides = array<i32>} : memref<16x8x128xf32, #tpu.memory_space<vmem>>, vector<16xf32>,
      %parallel_loop3A_353 = arith.constant 2 : i32
      %parallel_loop3A_354 = arith.index_cast %parallel_loop3A_353 : i32 to index
      %parallel_loop3A_355 = arith.index_cast %parallel_loop3A_335 : i32 to index
      %parallel_loop3A_356 = arith.index_cast %parallel_loop3A_339 : i32 to index
      %parallel_loop3A_357 = tpu.vector_load %arg6[%parallel_loop3A_354, %parallel_loop3A_355, %parallel_loop3A_356] {strides = array<i32>} : memref<16x8x128xf32, #tpu.memory_space<vmem>>, vector<16xf32>,
      %parallel_loop3A_358 = arith.constant 3 : i32
      %parallel_loop3A_359 = arith.index_cast %parallel_loop3A_358 : i32 to index
      %parallel_loop3A_360 = arith.index_cast %parallel_loop3A_335 : i32 to index
      %parallel_loop3A_361 = arith.index_cast %parallel_loop3A_339 : i32 to index
      %parallel_loop3A_362 = tpu.vector_load %arg6[%parallel_loop3A_359, %parallel_loop3A_360, %parallel_loop3A_361] {strides = array<i32>} : memref<16x8x128xf32, #tpu.memory_space<vmem>>, vector<16xf32>,
      %parallel_loop3A_363 = arith.constant 4 : i32
      %parallel_loop3A_364 = arith.index_cast %parallel_loop3A_363 : i32 to index
      %parallel_loop3A_365 = arith.index_cast %parallel_loop3A_335 : i32 to index
      %parallel_loop3A_366 = arith.index_cast %parallel_loop3A_339 : i32 to index
      %parallel_loop3A_367 = tpu.vector_load %arg6[%parallel_loop3A_364, %parallel_loop3A_365, %parallel_loop3A_366] {strides = array<i32>} : memref<16x8x128xf32, #tpu.memory_space<vmem>>, vector<16xf32>,
      %parallel_loop3A_368 = arith.constant 5 : i32
      %parallel_loop3A_369 = arith.index_cast %parallel_loop3A_368 : i32 to index
      %parallel_loop3A_370 = arith.index_cast %parallel_loop3A_335 : i32 to index
      %parallel_loop3A_371 = arith.index_cast %parallel_loop3A_339 : i32 to index
      %parallel_loop3A_372 = tpu.vector_load %arg6[%parallel_loop3A_369, %parallel_loop3A_370, %parallel_loop3A_371] {strides = array<i32>} : memref<16x8x128xf32, #tpu.memory_space<vmem>>, vector<16xf32>,
      %parallel_loop3A_373 = arith.constant 6 : i32
      %parallel_loop3A_374 = arith.index_cast %parallel_loop3A_373 : i32 to index
      %parallel_loop3A_375 = arith.index_cast %parallel_loop3A_335 : i32 to index
      %parallel_loop3A_376 = arith.index_cast %parallel_loop3A_339 : i32 to index
      %parallel_loop3A_377 = tpu.vector_load %arg6[%parallel_loop3A_374, %parallel_loop3A_375, %parallel_loop3A_376] {strides = array<i32>} : memref<16x8x128xf32, #tpu.memory_space<vmem>>, vector<16xf32>,
      %parallel_loop3A_378 = arith.constant 7 : i32
      %parallel_loop3A_379 = arith.index_cast %parallel_loop3A_378 : i32 to index
      %parallel_loop3A_380 = arith.index_cast %parallel_loop3A_335 : i32 to index
      %parallel_loop3A_381 = arith.index_cast %parallel_loop3A_339 : i32 to index
      %parallel_loop3A_382 = tpu.vector_load %arg6[%parallel_loop3A_379, %parallel_loop3A_380, %parallel_loop3A_381] {strides = array<i32>} : memref<16x8x128xf32, #tpu.memory_space<vmem>>, vector<16xf32>,
      %parallel_loop3A_383 = arith.constant 8 : i32
      %parallel_loop3A_384 = arith.index_cast %parallel_loop3A_383 : i32 to index
      %parallel_loop3A_385 = arith.index_cast %parallel_loop3A_335 : i32 to index
      %parallel_loop3A_386 = arith.index_cast %parallel_loop3A_339 : i32 to index
      %parallel_loop3A_387 = tpu.vector_load %arg6[%parallel_loop3A_384, %parallel_loop3A_385, %parallel_loop3A_386] {strides = array<i32>} : memref<16x8x128xf32, #tpu.memory_space<vmem>>, vector<16xf32>,
      %parallel_loop3A_388 = arith.constant 9 : i32
      %parallel_loop3A_389 = arith.index_cast %parallel_loop3A_388 : i32 to index
      %parallel_loop3A_390 = arith.index_cast %parallel_loop3A_335 : i32 to index
      %parallel_loop3A_391 = arith.index_cast %parallel_loop3A_339 : i32 to index
      %parallel_loop3A_392 = tpu.vector_load %arg6[%parallel_loop3A_389, %parallel_loop3A_390, %parallel_loop3A_391] {strides = array<i32>} : memref<16x8x128xf32, #tpu.memory_space<vmem>>, vector<16xf32>,
      %parallel_loop3A_393 = arith.constant 10 : i32
      %parallel_loop3A_394 = arith.index_cast %parallel_loop3A_393 : i32 to index
      %parallel_loop3A_395 = arith.index_cast %parallel_loop3A_335 : i32 to index
      %parallel_loop3A_396 = arith.index_cast %parallel_loop3A_339 : i32 to index
      %parallel_loop3A_397 = tpu.vector_load %arg6[%parallel_loop3A_394, %parallel_loop3A_395, %parallel_loop3A_396] {strides = array<i32>} : memref<16x8x128xf32, #tpu.memory_space<vmem>>, vector<16xf32>,
      %parallel_loop3A_398 = arith.constant 11 : i32
      %parallel_loop3A_399 = arith.index_cast %parallel_loop3A_398 : i32 to index
      %parallel_loop3A_400 = arith.index_cast %parallel_loop3A_335 : i32 to index
      %parallel_loop3A_401 = arith.index_cast %parallel_loop3A_339 : i32 to index
      %parallel_loop3A_402 = tpu.vector_load %arg6[%parallel_loop3A_399, %parallel_loop3A_400, %parallel_loop3A_401] {strides = array<i32>} : memref<16x8x128xf32, #tpu.memory_space<vmem>>, vector<16xf32>,
      %parallel_loop3A_403 = arith.constant 12 : i32
      %parallel_loop3A_404 = arith.index_cast %parallel_loop3A_403 : i32 to index
      %parallel_loop3A_405 = arith.index_cast %parallel_loop3A_335 : i32 to index
      %parallel_loop3A_406 = arith.index_cast %parallel_loop3A_339 : i32 to index
      %parallel_loop3A_407 = tpu.vector_load %arg6[%parallel_loop3A_404, %parallel_loop3A_405, %parallel_loop3A_406] {strides = array<i32>} : memref<16x8x128xf32, #tpu.memory_space<vmem>>, vector<16xf32>,
      %parallel_loop3A_408 = arith.constant 13 : i32
      %parallel_loop3A_409 = arith.index_cast %parallel_loop3A_408 : i32 to index
      %parallel_loop3A_410 = arith.index_cast %parallel_loop3A_335 : i32 to index
      %parallel_loop3A_411 = arith.index_cast %parallel_loop3A_339 : i32 to index
      %parallel_loop3A_412 = tpu.vector_load %arg6[%parallel_loop3A_409, %parallel_loop3A_410, %parallel_loop3A_411] {strides = array<i32>} : memref<16x8x128xf32, #tpu.memory_space<vmem>>, vector<16xf32>,
      %parallel_loop3A_413 = arith.constant 14 : i32
      %parallel_loop3A_414 = arith.index_cast %parallel_loop3A_413 : i32 to index
      %parallel_loop3A_415 = arith.index_cast %parallel_loop3A_335 : i32 to index
      %parallel_loop3A_416 = arith.index_cast %parallel_loop3A_339 : i32 to index
      %parallel_loop3A_417 = tpu.vector_load %arg6[%parallel_loop3A_414, %parallel_loop3A_415, %parallel_loop3A_416] {strides = array<i32>} : memref<16x8x128xf32, #tpu.memory_space<vmem>>, vector<16xf32>,
      %parallel_loop3A_418 = arith.constant 15 : i32
      %parallel_loop3A_419 = arith.index_cast %parallel_loop3A_418 : i32 to index
      %parallel_loop3A_420 = arith.index_cast %parallel_loop3A_335 : i32 to index
      %parallel_loop3A_421 = arith.index_cast %parallel_loop3A_339 : i32 to index
      %parallel_loop3A_422 = tpu.vector_load %arg6[%parallel_loop3A_419, %parallel_loop3A_420, %parallel_loop3A_421] {strides = array<i32>} : memref<16x8x128xf32, #tpu.memory_space<vmem>>, vector<16xf32>,
      tpu.vector_store_idx %arg8[%parallel_loop3A_342, %broadcast_in_dim3A_5], %parallel_loop3A_347 {add = true} : memref<144x16xf32, #tpu.memory_space<vmem>>[vector<16xi32>, vector<16xi32>], vector<16xf32>,
      tpu.vector_store_idx %arg8[%parallel_loop3A_342, %broadcast_in_dim3A_7], %parallel_loop3A_352 {add = true} : memref<144x16xf32, #tpu.memory_space<vmem>>[vector<16xi32>, vector<16xi32>], vector<16xf32>,
      tpu.vector_store_idx %arg8[%parallel_loop3A_342, %broadcast_in_dim3A_9], %parallel_loop3A_357 {add = true} : memref<144x16xf32, #tpu.memory_space<vmem>>[vector<16xi32>, vector<16xi32>], vector<16xf32>,
      tpu.vector_store_idx %arg8[%parallel_loop3A_342, %broadcast_in_dim3A_11], %parallel_loop3A_362 {add = true} : memref<144x16xf32, #tpu.memory_space<vmem>>[vector<16xi32>, vector<16xi32>], vector<16xf32>,
      tpu.vector_store_idx %arg8[%parallel_loop3A_342, %broadcast_in_dim3A_13], %parallel_loop3A_367 {add = true} : memref<144x16xf32, #tpu.memory_space<vmem>>[vector<16xi32>, vector<16xi32>], vector<16xf32>,
      tpu.vector_store_idx %arg8[%parallel_loop3A_342, %broadcast_in_dim3A_15], %parallel_loop3A_372 {add = true} : memref<144x16xf32, #tpu.memory_space<vmem>>[vector<16xi32>, vector<16xi32>], vector<16xf32>,
      tpu.vector_store_idx %arg8[%parallel_loop3A_342, %broadcast_in_dim3A_17], %parallel_loop3A_377 {add = true} : memref<144x16xf32, #tpu.memory_space<vmem>>[vector<16xi32>, vector<16xi32>], vector<16xf32>,
      tpu.vector_store_idx %arg8[%parallel_loop3A_342, %broadcast_in_dim3A_19], %parallel_loop3A_382 {add = true} : memref<144x16xf32, #tpu.memory_space<vmem>>[vector<16xi32>, vector<16xi32>], vector<16xf32>,
      tpu.vector_store_idx %arg8[%parallel_loop3A_342, %broadcast_in_dim3A_21], %parallel_loop3A_387 {add = true} : memref<144x16xf32, #tpu.memory_space<vmem>>[vector<16xi32>, vector<16xi32>], vector<16xf32>,
      tpu.vector_store_idx %arg8[%parallel_loop3A_342, %broadcast_in_dim3A_23], %parallel_loop3A_392 {add = true} : memref<144x16xf32, #tpu.memory_space<vmem>>[vector<16xi32>, vector<16xi32>], vector<16xf32>,
      tpu.vector_store_idx %arg8[%parallel_loop3A_342, %broadcast_in_dim3A_25], %parallel_loop3A_397 {add = true} : memref<144x16xf32, #tpu.memory_space<vmem>>[vector<16xi32>, vector<16xi32>], vector<16xf32>,
      tpu.vector_store_idx %arg8[%parallel_loop3A_342, %broadcast_in_dim3A_27], %parallel_loop3A_402 {add = true} : memref<144x16xf32, #tpu.memory_space<vmem>>[vector<16xi32>, vector<16xi32>], vector<16xf32>,
      tpu.vector_store_idx %arg8[%parallel_loop3A_342, %broadcast_in_dim3A_29], %parallel_loop3A_407 {add = true} : memref<144x16xf32, #tpu.memory_space<vmem>>[vector<16xi32>, vector<16xi32>], vector<16xf32>,
      tpu.vector_store_idx %arg8[%parallel_loop3A_342, %broadcast_in_dim3A_31], %parallel_loop3A_412 {add = true} : memref<144x16xf32, #tpu.memory_space<vmem>>[vector<16xi32>, vector<16xi32>], vector<16xf32>,
      tpu.vector_store_idx %arg8[%parallel_loop3A_342, %broadcast_in_dim3A_33], %parallel_loop3A_417 {add = true} : memref<144x16xf32, #tpu.memory_space<vmem>>[vector<16xi32>, vector<16xi32>], vector<16xf32>,
      tpu.vector_store_idx %arg8[%parallel_loop3A_342, %broadcast_in_dim3A_35], %parallel_loop3A_422 {add = true} : memref<144x16xf32, #tpu.memory_space<vmem>>[vector<16xi32>, vector<16xi32>], vector<16xf32>,
      %parallel_loop3A_423 = arith.constant 4 : i32
      %parallel_loop3A_424 = vector.broadcast %parallel_loop3A_423 : i32 to vector<16xi32>
      %parallel_loop3A_425 = arith.shrsi %parallel_loop3A_342, %parallel_loop3A_424 : vector<16xi32>
      %parallel_loop3A_426 = arith.constant 128 : i32
      %parallel_loop3A_427 = vector.broadcast %parallel_loop3A_426 : i32 to vector<16xi32>
      %parallel_loop3A_428 = arith.addi %parallel_loop3A_427, %parallel_loop3A_425 : vector<16xi32>
      %parallel_loop3A_429 = arith.constant 15 : i32
      %parallel_loop3A_430 = vector.broadcast %parallel_loop3A_429 : i32 to vector<16xi32>
      %parallel_loop3A_431 = arith.andi %parallel_loop3A_342, %parallel_loop3A_430 : vector<16xi32>
      tpu.vector_store_idx %arg8[%parallel_loop3A_428, %parallel_loop3A_431], %broadcast_in_dim3A_3 {add = true} : memref<144x16xf32, #tpu.memory_space<vmem>>[vector<16xi32>, vector<16xi32>], vector<16xf32>,
    } {sc.loop_unroll_factor = 2 : i64, sc.parallel_access}
    %dma_start3A_119 = arith.constant 0 : i32
    %dma_start3A_120 = arith.constant 0 : i32
    %dma_start3A_121 = tpu.memref_slice %arg8[%dma_start3A_119, %dma_start3A_120] : memref<144x16xf32, #tpu.memory_space<vmem>> -> memref<128x16xf32, #tpu.memory_space<vmem>>
    %dma_start3A_122 = arith.constant 0 : i32
    %dma_start3A_123 = arith.constant 0 : i32
    %dma_start3A_124 = tpu.memref_slice %arg15[%dma_start3A_122, %dma_start3A_123] : memref<144x16xf32, #tpu.memory_space<vmem_shared>> -> memref<144x16xf32, #tpu.memory_space<vmem_shared>>
    tpu.enqueue_indirect_dma source(%dma_start3A_121 : memref<128x16xf32, #tpu.memory_space<vmem>>) target(%dma_start3A_124 : memref<144x16xf32, #tpu.memory_space<vmem_shared>>) offsets(%arg12 : memref<128xi32, #tpu.memory_space<vmem>>) semaphore(%arg16 : memref<!tpu.dma_semaphore, #tpu.memory_space<semaphore_mem>>) {add = true}
    %dma_start3A_125 = arith.constant 128 : i32
    %dma_start3A_126 = arith.constant 0 : i32
    %dma_start3A_127 = tpu.memref_slice %arg8[%dma_start3A_125, %dma_start3A_126] : memref<144x16xf32, #tpu.memory_space<vmem>> -> memref<16x16xf32, #tpu.memory_space<vmem>>
    %dma_start3A_128 = arith.constant 0 : i32
    %dma_start3A_129 = arith.constant 0 : i32
    %dma_start3A_130 = tpu.memref_slice %arg15[%dma_start3A_128, %dma_start3A_129] : memref<144x16xf32, #tpu.memory_space<vmem_shared>> -> memref<144x16xf32, #tpu.memory_space<vmem_shared>>
    tpu.enqueue_indirect_dma source(%dma_start3A_127 : memref<16x16xf32, #tpu.memory_space<vmem>>) target(%dma_start3A_130 : memref<144x16xf32, #tpu.memory_space<vmem_shared>>) offsets(%arg13 : memref<16xi32, #tpu.memory_space<vmem>>) semaphore(%arg16 : memref<!tpu.dma_semaphore, #tpu.memory_space<semaphore_mem>>) {add = true}
    %dma_wait3A_131 = arith.constant 0 : i32
    %dma_wait3A_132 = arith.constant 0 : i32
    %dma_wait3A_133 = tpu.memref_slice %arg8[%dma_wait3A_131, %dma_wait3A_132] : memref<144x16xf32, #tpu.memory_space<vmem>> -> memref<128x16xf32, #tpu.memory_space<vmem>>
    %dma_wait3A_134 = arith.constant 0 : i32
    %dma_wait3A_135 = arith.constant 0 : i32
    %dma_wait3A_136 = tpu.memref_slice %arg15[%dma_wait3A_134, %dma_wait3A_135] : memref<144x16xf32, #tpu.memory_space<vmem_shared>> -> memref<144x16xf32, #tpu.memory_space<vmem_shared>>
    tpu.wait_indirect_dma semaphore(%arg16 : memref<!tpu.dma_semaphore, #tpu.memory_space<semaphore_mem>>) src(%dma_wait3A_133 : memref<128x16xf32, #tpu.memory_space<vmem>>) dst(%dma_wait3A_136 : memref<144x16xf32, #tpu.memory_space<vmem_shared>>)
    %dma_wait3A_137 = arith.constant 128 : i32
    %dma_wait3A_138 = arith.constant 0 : i32
    %dma_wait3A_139 = tpu.memref_slice %arg8[%dma_wait3A_137, %dma_wait3A_138] : memref<144x16xf32, #tpu.memory_space<vmem>> -> memref<16x16xf32, #tpu.memory_space<vmem>>
    %dma_wait3A_140 = arith.constant 0 : i32
    %dma_wait3A_141 = arith.constant 0 : i32
    %dma_wait3A_142 = tpu.memref_slice %arg15[%dma_wait3A_140, %dma_wait3A_141] : memref<144x16xf32, #tpu.memory_space<vmem_shared>> -> memref<144x16xf32, #tpu.memory_space<vmem_shared>>
    tpu.wait_indirect_dma semaphore(%arg16 : memref<!tpu.dma_semaphore, #tpu.memory_space<semaphore_mem>>) src(%dma_wait3A_139 : memref<16x16xf32, #tpu.memory_space<vmem>>) dst(%dma_wait3A_142 : memref<144x16xf32, #tpu.memory_space<vmem_shared>>)
    %barrier3A_143 = arith.constant 0 : index
    tpu.barrier barrier_id(%barrier3A_143)
    "tpu.region"() ({
      %run_scoped3A = tpu.sem_alloc : memref<!tpu.dma_semaphore, #tpu.memory_space<semaphore_mem>>
      tpu.enqueue_dma source(%arg15 : memref<144x16xf32, #tpu.memory_space<vmem_shared>>) target(%arg8 : memref<144x16xf32, #tpu.memory_space<vmem>>) target_semaphore(%run_scoped3A : memref<!tpu.dma_semaphore, #tpu.memory_space<semaphore_mem>>)
      tpu.wait_dma2 semaphore(%run_scoped3A : memref<!tpu.dma_semaphore, #tpu.memory_space<semaphore_mem>>) src(%arg15 : memref<144x16xf32, #tpu.memory_space<vmem_shared>>) dst(%arg8 : memref<144x16xf32, #tpu.memory_space<vmem>>)
      tpu.yield
    }) : () -> ()
    %broadcast_in_dim3A_144 = arith.constant -1 : i32
    %broadcast_in_dim3A_145 = vector.broadcast %broadcast_in_dim3A_144 : i32 to vector<16xi32>
    %parallel_loop3A_146 = arith.constant 0 : i32
    %parallel_loop3A_147 = arith.constant 8 : i32
    %parallel_loop3A_148 = arith.constant 1 : i32
    %parallel_loop3A_149 = scf.for %parallel_loop3A_333 = %parallel_loop3A_146 to %parallel_loop3A_147 step %parallel_loop3A_148 iter_args(%parallel_loop3A_334 = %broadcast_in_dim3A_145) -> (vector<16xi32>)  : i32 {
      %parallel_loop3A_335 = arith.constant 16 : i32
      %parallel_loop3A_336 = arith.muli %parallel_loop3A_333, %parallel_loop3A_335 : i32
      %parallel_loop3A_337 = vector.broadcast %parallel_loop3A_336 : i32 to vector<16xi32>
      %parallel_loop3A_338 = arith.addi %iota3A, %parallel_loop3A_337 : vector<16xi32>
      %parallel_loop3A_339 = tpu.vector_load_idx %arg8[%parallel_loop3A_338, %broadcast_in_dim3A_5] : memref<144x16xf32, #tpu.memory_space<vmem>>[vector<16xi32>, vector<16xi32>], vector<16xf32>,
      %parallel_loop3A_340 = tpu.vector_load_idx %arg8[%parallel_loop3A_338, %broadcast_in_dim3A_7] : memref<144x16xf32, #tpu.memory_space<vmem>>[vector<16xi32>, vector<16xi32>], vector<16xf32>,
      %parallel_loop3A_341 = tpu.vector_load_idx %arg8[%parallel_loop3A_338, %broadcast_in_dim3A_9] : memref<144x16xf32, #tpu.memory_space<vmem>>[vector<16xi32>, vector<16xi32>], vector<16xf32>,
      %parallel_loop3A_342 = tpu.vector_load_idx %arg8[%parallel_loop3A_338, %broadcast_in_dim3A_11] : memref<144x16xf32, #tpu.memory_space<vmem>>[vector<16xi32>, vector<16xi32>], vector<16xf32>,
      %parallel_loop3A_343 = tpu.vector_load_idx %arg8[%parallel_loop3A_338, %broadcast_in_dim3A_13] : memref<144x16xf32, #tpu.memory_space<vmem>>[vector<16xi32>, vector<16xi32>], vector<16xf32>,
      %parallel_loop3A_344 = tpu.vector_load_idx %arg8[%parallel_loop3A_338, %broadcast_in_dim3A_15] : memref<144x16xf32, #tpu.memory_space<vmem>>[vector<16xi32>, vector<16xi32>], vector<16xf32>,
      %parallel_loop3A_345 = tpu.vector_load_idx %arg8[%parallel_loop3A_338, %broadcast_in_dim3A_17] : memref<144x16xf32, #tpu.memory_space<vmem>>[vector<16xi32>, vector<16xi32>], vector<16xf32>,
      %parallel_loop3A_346 = tpu.vector_load_idx %arg8[%parallel_loop3A_338, %broadcast_in_dim3A_19] : memref<144x16xf32, #tpu.memory_space<vmem>>[vector<16xi32>, vector<16xi32>], vector<16xf32>,
      %parallel_loop3A_347 = tpu.vector_load_idx %arg8[%parallel_loop3A_338, %broadcast_in_dim3A_21] : memref<144x16xf32, #tpu.memory_space<vmem>>[vector<16xi32>, vector<16xi32>], vector<16xf32>,
      %parallel_loop3A_348 = tpu.vector_load_idx %arg8[%parallel_loop3A_338, %broadcast_in_dim3A_23] : memref<144x16xf32, #tpu.memory_space<vmem>>[vector<16xi32>, vector<16xi32>], vector<16xf32>,
      %parallel_loop3A_349 = tpu.vector_load_idx %arg8[%parallel_loop3A_338, %broadcast_in_dim3A_25] : memref<144x16xf32, #tpu.memory_space<vmem>>[vector<16xi32>, vector<16xi32>], vector<16xf32>,
      %parallel_loop3A_350 = tpu.vector_load_idx %arg8[%parallel_loop3A_338, %broadcast_in_dim3A_27] : memref<144x16xf32, #tpu.memory_space<vmem>>[vector<16xi32>, vector<16xi32>], vector<16xf32>,
      %parallel_loop3A_351 = tpu.vector_load_idx %arg8[%parallel_loop3A_338, %broadcast_in_dim3A_29] : memref<144x16xf32, #tpu.memory_space<vmem>>[vector<16xi32>, vector<16xi32>], vector<16xf32>,
      %parallel_loop3A_352 = tpu.vector_load_idx %arg8[%parallel_loop3A_338, %broadcast_in_dim3A_31] : memref<144x16xf32, #tpu.memory_space<vmem>>[vector<16xi32>, vector<16xi32>], vector<16xf32>,
      %parallel_loop3A_353 = tpu.vector_load_idx %arg8[%parallel_loop3A_338, %broadcast_in_dim3A_33] : memref<144x16xf32, #tpu.memory_space<vmem>>[vector<16xi32>, vector<16xi32>], vector<16xf32>,
      %parallel_loop3A_354 = tpu.vector_load_idx %arg8[%parallel_loop3A_338, %broadcast_in_dim3A_35] : memref<144x16xf32, #tpu.memory_space<vmem>>[vector<16xi32>, vector<16xi32>], vector<16xf32>,
      %parallel_loop3A_355 = arith.mulf %parallel_loop3A_339, %parallel_loop3A_339 : vector<16xf32>
      %parallel_loop3A_356 = arith.mulf %parallel_loop3A_340, %parallel_loop3A_340 : vector<16xf32>
      %parallel_loop3A_357 = arith.mulf %parallel_loop3A_341, %parallel_loop3A_341 : vector<16xf32>
      %parallel_loop3A_358 = arith.mulf %parallel_loop3A_342, %parallel_loop3A_342 : vector<16xf32>
      %parallel_loop3A_359 = arith.mulf %parallel_loop3A_343, %parallel_loop3A_343 : vector<16xf32>
      %parallel_loop3A_360 = arith.mulf %parallel_loop3A_344, %parallel_loop3A_344 : vector<16xf32>
      %parallel_loop3A_361 = arith.mulf %parallel_loop3A_345, %parallel_loop3A_345 : vector<16xf32>
      %parallel_loop3A_362 = arith.mulf %parallel_loop3A_346, %parallel_loop3A_346 : vector<16xf32>
      %parallel_loop3A_363 = arith.mulf %parallel_loop3A_347, %parallel_loop3A_347 : vector<16xf32>
      %parallel_loop3A_364 = arith.mulf %parallel_loop3A_348, %parallel_loop3A_348 : vector<16xf32>
      %parallel_loop3A_365 = arith.mulf %parallel_loop3A_349, %parallel_loop3A_349 : vector<16xf32>
      %parallel_loop3A_366 = arith.mulf %parallel_loop3A_350, %parallel_loop3A_350 : vector<16xf32>
      %parallel_loop3A_367 = arith.mulf %parallel_loop3A_351, %parallel_loop3A_351 : vector<16xf32>
      %parallel_loop3A_368 = arith.mulf %parallel_loop3A_352, %parallel_loop3A_352 : vector<16xf32>
      %parallel_loop3A_369 = arith.mulf %parallel_loop3A_353, %parallel_loop3A_353 : vector<16xf32>
      %parallel_loop3A_370 = arith.mulf %parallel_loop3A_354, %parallel_loop3A_354 : vector<16xf32>
      %parallel_loop3A_371 = arith.addf %parallel_loop3A_355, %parallel_loop3A_356 : vector<16xf32>
      %parallel_loop3A_372 = arith.addf %parallel_loop3A_357, %parallel_loop3A_358 : vector<16xf32>
      %parallel_loop3A_373 = arith.addf %parallel_loop3A_359, %parallel_loop3A_360 : vector<16xf32>
      %parallel_loop3A_374 = arith.addf %parallel_loop3A_361, %parallel_loop3A_362 : vector<16xf32>
      %parallel_loop3A_375 = arith.addf %parallel_loop3A_363, %parallel_loop3A_364 : vector<16xf32>
      %parallel_loop3A_376 = arith.addf %parallel_loop3A_365, %parallel_loop3A_366 : vector<16xf32>
      %parallel_loop3A_377 = arith.addf %parallel_loop3A_367, %parallel_loop3A_368 : vector<16xf32>
      %parallel_loop3A_378 = arith.addf %parallel_loop3A_369, %parallel_loop3A_370 : vector<16xf32>
      %parallel_loop3A_379 = arith.addf %parallel_loop3A_371, %parallel_loop3A_372 : vector<16xf32>
      %parallel_loop3A_380 = arith.addf %parallel_loop3A_373, %parallel_loop3A_374 : vector<16xf32>
      %parallel_loop3A_381 = arith.addf %parallel_loop3A_375, %parallel_loop3A_376 : vector<16xf32>
      %parallel_loop3A_382 = arith.addf %parallel_loop3A_377, %parallel_loop3A_378 : vector<16xf32>
      %parallel_loop3A_383 = arith.addf %parallel_loop3A_379, %parallel_loop3A_380 : vector<16xf32>
      %parallel_loop3A_384 = arith.addf %parallel_loop3A_381, %parallel_loop3A_382 : vector<16xf32>
      %parallel_loop3A_385 = arith.addf %parallel_loop3A_383, %parallel_loop3A_384 : vector<16xf32>
      %parallel_loop3A_386 = arith.constant 9.99999968E-21 : f32
      %parallel_loop3A_387 = vector.broadcast %parallel_loop3A_386 : f32 to vector<16xf32>
      %parallel_loop3A_388 = arith.maximumf %parallel_loop3A_385, %parallel_loop3A_387 : vector<16xf32>
      %parallel_loop3A_389 = vector.bitcast %parallel_loop3A_388 : vector<16xf32> to vector<16xi32>
      %parallel_loop3A_390 = arith.constant 1 : i32
      %parallel_loop3A_391 = vector.broadcast %parallel_loop3A_390 : i32 to vector<16xi32>
      %parallel_loop3A_392 = arith.shrsi %parallel_loop3A_389, %parallel_loop3A_391 : vector<16xi32>
      %parallel_loop3A_393 = arith.constant 1597463007 : i32
      %parallel_loop3A_394 = vector.broadcast %parallel_loop3A_393 : i32 to vector<16xi32>
      %parallel_loop3A_395 = arith.subi %parallel_loop3A_394, %parallel_loop3A_392 : vector<16xi32>
      %parallel_loop3A_396 = vector.bitcast %parallel_loop3A_395 : vector<16xi32> to vector<16xf32>
      %parallel_loop3A_397 = arith.constant 5.000000e-01 : f32
      %parallel_loop3A_398 = vector.broadcast %parallel_loop3A_397 : f32 to vector<16xf32>
      %parallel_loop3A_399 = arith.mulf %parallel_loop3A_398, %parallel_loop3A_388 : vector<16xf32>
      %parallel_loop3A_400 = arith.mulf %parallel_loop3A_399, %parallel_loop3A_396 : vector<16xf32>
      %parallel_loop3A_401 = arith.mulf %parallel_loop3A_400, %parallel_loop3A_396 : vector<16xf32>
      %parallel_loop3A_402 = arith.constant 1.500000e+00 : f32
      %parallel_loop3A_403 = vector.broadcast %parallel_loop3A_402 : f32 to vector<16xf32>
      %parallel_loop3A_404 = arith.subf %parallel_loop3A_403, %parallel_loop3A_401 : vector<16xf32>
      %parallel_loop3A_405 = arith.mulf %parallel_loop3A_396, %parallel_loop3A_404 : vector<16xf32>
      %parallel_loop3A_406 = arith.constant 5.000000e-01 : f32
      %parallel_loop3A_407 = vector.broadcast %parallel_loop3A_406 : f32 to vector<16xf32>
      %parallel_loop3A_408 = arith.mulf %parallel_loop3A_407, %parallel_loop3A_388 : vector<16xf32>
      %parallel_loop3A_409 = arith.mulf %parallel_loop3A_408, %parallel_loop3A_405 : vector<16xf32>
      %parallel_loop3A_410 = arith.mulf %parallel_loop3A_409, %parallel_loop3A_405 : vector<16xf32>
      %parallel_loop3A_411 = arith.constant 1.500000e+00 : f32
      %parallel_loop3A_412 = vector.broadcast %parallel_loop3A_411 : f32 to vector<16xf32>
      %parallel_loop3A_413 = arith.subf %parallel_loop3A_412, %parallel_loop3A_410 : vector<16xf32>
      %parallel_loop3A_414 = arith.mulf %parallel_loop3A_405, %parallel_loop3A_413 : vector<16xf32>
      %parallel_loop3A_415 = arith.constant 5.000000e-01 : f32
      %parallel_loop3A_416 = vector.broadcast %parallel_loop3A_415 : f32 to vector<16xf32>
      %parallel_loop3A_417 = arith.mulf %parallel_loop3A_416, %parallel_loop3A_388 : vector<16xf32>
      %parallel_loop3A_418 = arith.mulf %parallel_loop3A_417, %parallel_loop3A_414 : vector<16xf32>
      %parallel_loop3A_419 = arith.mulf %parallel_loop3A_418, %parallel_loop3A_414 : vector<16xf32>
      %parallel_loop3A_420 = arith.constant 1.500000e+00 : f32
      %parallel_loop3A_421 = vector.broadcast %parallel_loop3A_420 : f32 to vector<16xf32>
      %parallel_loop3A_422 = arith.subf %parallel_loop3A_421, %parallel_loop3A_419 : vector<16xf32>
      %parallel_loop3A_423 = arith.mulf %parallel_loop3A_414, %parallel_loop3A_422 : vector<16xf32>
      %parallel_loop3A_424 = arith.mulf %parallel_loop3A_339, %parallel_loop3A_423 : vector<16xf32>
      tpu.vector_store_idx %arg8[%parallel_loop3A_338, %broadcast_in_dim3A_5], %parallel_loop3A_424 : memref<144x16xf32, #tpu.memory_space<vmem>>[vector<16xi32>, vector<16xi32>], vector<16xf32>,
      %parallel_loop3A_425 = arith.mulf %parallel_loop3A_340, %parallel_loop3A_423 : vector<16xf32>
      tpu.vector_store_idx %arg8[%parallel_loop3A_338, %broadcast_in_dim3A_7], %parallel_loop3A_425 : memref<144x16xf32, #tpu.memory_space<vmem>>[vector<16xi32>, vector<16xi32>], vector<16xf32>,
      %parallel_loop3A_426 = arith.mulf %parallel_loop3A_341, %parallel_loop3A_423 : vector<16xf32>
      tpu.vector_store_idx %arg8[%parallel_loop3A_338, %broadcast_in_dim3A_9], %parallel_loop3A_426 : memref<144x16xf32, #tpu.memory_space<vmem>>[vector<16xi32>, vector<16xi32>], vector<16xf32>,
      %parallel_loop3A_427 = arith.mulf %parallel_loop3A_342, %parallel_loop3A_423 : vector<16xf32>
      tpu.vector_store_idx %arg8[%parallel_loop3A_338, %broadcast_in_dim3A_11], %parallel_loop3A_427 : memref<144x16xf32, #tpu.memory_space<vmem>>[vector<16xi32>, vector<16xi32>], vector<16xf32>,
      %parallel_loop3A_428 = arith.mulf %parallel_loop3A_343, %parallel_loop3A_423 : vector<16xf32>
      tpu.vector_store_idx %arg8[%parallel_loop3A_338, %broadcast_in_dim3A_13], %parallel_loop3A_428 : memref<144x16xf32, #tpu.memory_space<vmem>>[vector<16xi32>, vector<16xi32>], vector<16xf32>,
      %parallel_loop3A_429 = arith.mulf %parallel_loop3A_344, %parallel_loop3A_423 : vector<16xf32>
      tpu.vector_store_idx %arg8[%parallel_loop3A_338, %broadcast_in_dim3A_15], %parallel_loop3A_429 : memref<144x16xf32, #tpu.memory_space<vmem>>[vector<16xi32>, vector<16xi32>], vector<16xf32>,
      %parallel_loop3A_430 = arith.mulf %parallel_loop3A_345, %parallel_loop3A_423 : vector<16xf32>
      tpu.vector_store_idx %arg8[%parallel_loop3A_338, %broadcast_in_dim3A_17], %parallel_loop3A_430 : memref<144x16xf32, #tpu.memory_space<vmem>>[vector<16xi32>, vector<16xi32>], vector<16xf32>,
      %parallel_loop3A_431 = arith.mulf %parallel_loop3A_346, %parallel_loop3A_423 : vector<16xf32>
      tpu.vector_store_idx %arg8[%parallel_loop3A_338, %broadcast_in_dim3A_19], %parallel_loop3A_431 : memref<144x16xf32, #tpu.memory_space<vmem>>[vector<16xi32>, vector<16xi32>], vector<16xf32>,
      %parallel_loop3A_432 = arith.mulf %parallel_loop3A_347, %parallel_loop3A_423 : vector<16xf32>
      tpu.vector_store_idx %arg8[%parallel_loop3A_338, %broadcast_in_dim3A_21], %parallel_loop3A_432 : memref<144x16xf32, #tpu.memory_space<vmem>>[vector<16xi32>, vector<16xi32>], vector<16xf32>,
      %parallel_loop3A_433 = arith.mulf %parallel_loop3A_348, %parallel_loop3A_423 : vector<16xf32>
      tpu.vector_store_idx %arg8[%parallel_loop3A_338, %broadcast_in_dim3A_23], %parallel_loop3A_433 : memref<144x16xf32, #tpu.memory_space<vmem>>[vector<16xi32>, vector<16xi32>], vector<16xf32>,
      %parallel_loop3A_434 = arith.mulf %parallel_loop3A_349, %parallel_loop3A_423 : vector<16xf32>
      tpu.vector_store_idx %arg8[%parallel_loop3A_338, %broadcast_in_dim3A_25], %parallel_loop3A_434 : memref<144x16xf32, #tpu.memory_space<vmem>>[vector<16xi32>, vector<16xi32>], vector<16xf32>,
      %parallel_loop3A_435 = arith.mulf %parallel_loop3A_350, %parallel_loop3A_423 : vector<16xf32>
      tpu.vector_store_idx %arg8[%parallel_loop3A_338, %broadcast_in_dim3A_27], %parallel_loop3A_435 : memref<144x16xf32, #tpu.memory_space<vmem>>[vector<16xi32>, vector<16xi32>], vector<16xf32>,
      %parallel_loop3A_436 = arith.mulf %parallel_loop3A_351, %parallel_loop3A_423 : vector<16xf32>
      tpu.vector_store_idx %arg8[%parallel_loop3A_338, %broadcast_in_dim3A_29], %parallel_loop3A_436 : memref<144x16xf32, #tpu.memory_space<vmem>>[vector<16xi32>, vector<16xi32>], vector<16xf32>,
      %parallel_loop3A_437 = arith.mulf %parallel_loop3A_352, %parallel_loop3A_423 : vector<16xf32>
      tpu.vector_store_idx %arg8[%parallel_loop3A_338, %broadcast_in_dim3A_31], %parallel_loop3A_437 : memref<144x16xf32, #tpu.memory_space<vmem>>[vector<16xi32>, vector<16xi32>], vector<16xf32>,
      %parallel_loop3A_438 = arith.mulf %parallel_loop3A_353, %parallel_loop3A_423 : vector<16xf32>
      tpu.vector_store_idx %arg8[%parallel_loop3A_338, %broadcast_in_dim3A_33], %parallel_loop3A_438 : memref<144x16xf32, #tpu.memory_space<vmem>>[vector<16xi32>, vector<16xi32>], vector<16xf32>,
      %parallel_loop3A_439 = arith.mulf %parallel_loop3A_354, %parallel_loop3A_423 : vector<16xf32>
      tpu.vector_store_idx %arg8[%parallel_loop3A_338, %broadcast_in_dim3A_35], %parallel_loop3A_439 : memref<144x16xf32, #tpu.memory_space<vmem>>[vector<16xi32>, vector<16xi32>], vector<16xf32>,
      %parallel_loop3A_440 = arith.constant 128 : i32
      %parallel_loop3A_441 = arith.addi %parallel_loop3A_440, %parallel_loop3A_333 : i32
      %parallel_loop3A_442 = arith.index_cast %parallel_loop3A_441 : i32 to index
      %parallel_loop3A_443 = arith.constant 0 : index
      %parallel_loop3A_444 = tpu.vector_load %arg8[%parallel_loop3A_442, %parallel_loop3A_443] {strides = array<i32>} : memref<144x16xf32, #tpu.memory_space<vmem>>, vector<16xf32>,
      %parallel_loop3A_445 = arith.constant 1.000000e+00 : f32
      %parallel_loop3A_446 = vector.broadcast %parallel_loop3A_445 : f32 to vector<16xf32>
      %parallel_loop3A_447 = arith.divf %parallel_loop3A_446, %parallel_loop3A_444 : vector<16xf32>
      %parallel_loop3A_448 = arith.constant 136 : i32
      %parallel_loop3A_449 = arith.addi %parallel_loop3A_448, %parallel_loop3A_333 : i32
      %parallel_loop3A_450 = arith.index_cast %parallel_loop3A_449 : i32 to index
      %parallel_loop3A_451 = arith.constant 0 : index
      %parallel_loop3A_452 = tpu.vector_load %arg8[%parallel_loop3A_450, %parallel_loop3A_451] {strides = array<i32>} : memref<144x16xf32, #tpu.memory_space<vmem>>, vector<16xf32>,
      tpu.vector_store %arg8[%parallel_loop3A_450, %parallel_loop3A_451], %parallel_loop3A_447 {strides = array<i32>} : memref<144x16xf32, #tpu.memory_space<vmem>>, vector<16xf32>,
      %parallel_loop3A_453 = arith.constant 0.000000e+00 : f32
      %parallel_loop3A_454 = vector.broadcast %parallel_loop3A_453 : f32 to vector<16xf32>
      %parallel_loop3A_455 = arith.cmpf ogt, %parallel_loop3A_444, %parallel_loop3A_454 : vector<16xf32>
      %parallel_loop3A_456 = arith.constant -1 : i32
      %parallel_loop3A_457 = vector.broadcast %parallel_loop3A_456 : i32 to vector<16xi32>
      %parallel_loop3A_458 = arith.select %parallel_loop3A_455, %parallel_loop3A_338, %parallel_loop3A_457 : vector<16xi1>, vector<16xi32>
      %parallel_loop3A_459 = arith.maxsi %parallel_loop3A_334, %parallel_loop3A_458 : vector<16xi32>
      scf.yield %parallel_loop3A_459 : vector<16xi32>
    } {sc.loop_unroll_factor = 1 : i64, sc.parallel_access}
    %parallel_loop3A_150 = arith.constant 0 : i32
    %parallel_loop3A_151 = arith.constant 64 : i32
    %parallel_loop3A_152 = arith.constant 1 : i32
    %parallel_loop3A_153 = scf.for %parallel_loop3A_333 = %parallel_loop3A_150 to %parallel_loop3A_151 step %parallel_loop3A_152 iter_args(%parallel_loop3A_334 = %broadcast_in_dim3A_1) -> (vector<16xf32>)  : i32 {
      %parallel_loop3A_335 = arith.constant 3 : i32
      %parallel_loop3A_336 = arith.shrsi %parallel_loop3A_333, %parallel_loop3A_335 : i32
      %parallel_loop3A_337 = arith.constant 7 : i32
      %parallel_loop3A_338 = arith.andi %parallel_loop3A_333, %parallel_loop3A_337 : i32
      %parallel_loop3A_339 = arith.constant 16 : i32
      %parallel_loop3A_340 = arith.muli %parallel_loop3A_338, %parallel_loop3A_339 : i32
      %parallel_loop3A_341 = arith.index_cast %parallel_loop3A_336 : i32 to index
      %parallel_loop3A_342 = arith.index_cast %parallel_loop3A_340 : i32 to index
      %parallel_loop3A_343 = tpu.vector_load %arg7[%parallel_loop3A_341, %parallel_loop3A_342] {strides = array<i32>} : memref<8x128xi32, #tpu.memory_space<vmem>>, vector<16xi32>,
      %parallel_loop3A_344 = arith.constant 0 : i32
      %parallel_loop3A_345 = arith.index_cast %parallel_loop3A_344 : i32 to index
      %parallel_loop3A_346 = arith.index_cast %parallel_loop3A_336 : i32 to index
      %parallel_loop3A_347 = arith.index_cast %parallel_loop3A_340 : i32 to index
      %parallel_loop3A_348 = tpu.vector_load %arg6[%parallel_loop3A_345, %parallel_loop3A_346, %parallel_loop3A_347] {strides = array<i32>} : memref<16x8x128xf32, #tpu.memory_space<vmem>>, vector<16xf32>,
      %parallel_loop3A_349 = arith.constant 1 : i32
      %parallel_loop3A_350 = arith.index_cast %parallel_loop3A_349 : i32 to index
      %parallel_loop3A_351 = arith.index_cast %parallel_loop3A_336 : i32 to index
      %parallel_loop3A_352 = arith.index_cast %parallel_loop3A_340 : i32 to index
      %parallel_loop3A_353 = tpu.vector_load %arg6[%parallel_loop3A_350, %parallel_loop3A_351, %parallel_loop3A_352] {strides = array<i32>} : memref<16x8x128xf32, #tpu.memory_space<vmem>>, vector<16xf32>,
      %parallel_loop3A_354 = arith.constant 2 : i32
      %parallel_loop3A_355 = arith.index_cast %parallel_loop3A_354 : i32 to index
      %parallel_loop3A_356 = arith.index_cast %parallel_loop3A_336 : i32 to index
      %parallel_loop3A_357 = arith.index_cast %parallel_loop3A_340 : i32 to index
      %parallel_loop3A_358 = tpu.vector_load %arg6[%parallel_loop3A_355, %parallel_loop3A_356, %parallel_loop3A_357] {strides = array<i32>} : memref<16x8x128xf32, #tpu.memory_space<vmem>>, vector<16xf32>,
      %parallel_loop3A_359 = arith.constant 3 : i32
      %parallel_loop3A_360 = arith.index_cast %parallel_loop3A_359 : i32 to index
      %parallel_loop3A_361 = arith.index_cast %parallel_loop3A_336 : i32 to index
      %parallel_loop3A_362 = arith.index_cast %parallel_loop3A_340 : i32 to index
      %parallel_loop3A_363 = tpu.vector_load %arg6[%parallel_loop3A_360, %parallel_loop3A_361, %parallel_loop3A_362] {strides = array<i32>} : memref<16x8x128xf32, #tpu.memory_space<vmem>>, vector<16xf32>,
      %parallel_loop3A_364 = arith.constant 4 : i32
      %parallel_loop3A_365 = arith.index_cast %parallel_loop3A_364 : i32 to index
      %parallel_loop3A_366 = arith.index_cast %parallel_loop3A_336 : i32 to index
      %parallel_loop3A_367 = arith.index_cast %parallel_loop3A_340 : i32 to index
      %parallel_loop3A_368 = tpu.vector_load %arg6[%parallel_loop3A_365, %parallel_loop3A_366, %parallel_loop3A_367] {strides = array<i32>} : memref<16x8x128xf32, #tpu.memory_space<vmem>>, vector<16xf32>,
      %parallel_loop3A_369 = arith.constant 5 : i32
      %parallel_loop3A_370 = arith.index_cast %parallel_loop3A_369 : i32 to index
      %parallel_loop3A_371 = arith.index_cast %parallel_loop3A_336 : i32 to index
      %parallel_loop3A_372 = arith.index_cast %parallel_loop3A_340 : i32 to index
      %parallel_loop3A_373 = tpu.vector_load %arg6[%parallel_loop3A_370, %parallel_loop3A_371, %parallel_loop3A_372] {strides = array<i32>} : memref<16x8x128xf32, #tpu.memory_space<vmem>>, vector<16xf32>,
      %parallel_loop3A_374 = arith.constant 6 : i32
      %parallel_loop3A_375 = arith.index_cast %parallel_loop3A_374 : i32 to index
      %parallel_loop3A_376 = arith.index_cast %parallel_loop3A_336 : i32 to index
      %parallel_loop3A_377 = arith.index_cast %parallel_loop3A_340 : i32 to index
      %parallel_loop3A_378 = tpu.vector_load %arg6[%parallel_loop3A_375, %parallel_loop3A_376, %parallel_loop3A_377] {strides = array<i32>} : memref<16x8x128xf32, #tpu.memory_space<vmem>>, vector<16xf32>,
      %parallel_loop3A_379 = arith.constant 7 : i32
      %parallel_loop3A_380 = arith.index_cast %parallel_loop3A_379 : i32 to index
      %parallel_loop3A_381 = arith.index_cast %parallel_loop3A_336 : i32 to index
      %parallel_loop3A_382 = arith.index_cast %parallel_loop3A_340 : i32 to index
      %parallel_loop3A_383 = tpu.vector_load %arg6[%parallel_loop3A_380, %parallel_loop3A_381, %parallel_loop3A_382] {strides = array<i32>} : memref<16x8x128xf32, #tpu.memory_space<vmem>>, vector<16xf32>,
      %parallel_loop3A_384 = arith.constant 8 : i32
      %parallel_loop3A_385 = arith.index_cast %parallel_loop3A_384 : i32 to index
      %parallel_loop3A_386 = arith.index_cast %parallel_loop3A_336 : i32 to index
      %parallel_loop3A_387 = arith.index_cast %parallel_loop3A_340 : i32 to index
      %parallel_loop3A_388 = tpu.vector_load %arg6[%parallel_loop3A_385, %parallel_loop3A_386, %parallel_loop3A_387] {strides = array<i32>} : memref<16x8x128xf32, #tpu.memory_space<vmem>>, vector<16xf32>,
      %parallel_loop3A_389 = arith.constant 9 : i32
      %parallel_loop3A_390 = arith.index_cast %parallel_loop3A_389 : i32 to index
      %parallel_loop3A_391 = arith.index_cast %parallel_loop3A_336 : i32 to index
      %parallel_loop3A_392 = arith.index_cast %parallel_loop3A_340 : i32 to index
      %parallel_loop3A_393 = tpu.vector_load %arg6[%parallel_loop3A_390, %parallel_loop3A_391, %parallel_loop3A_392] {strides = array<i32>} : memref<16x8x128xf32, #tpu.memory_space<vmem>>, vector<16xf32>,
      %parallel_loop3A_394 = arith.constant 10 : i32
      %parallel_loop3A_395 = arith.index_cast %parallel_loop3A_394 : i32 to index
      %parallel_loop3A_396 = arith.index_cast %parallel_loop3A_336 : i32 to index
      %parallel_loop3A_397 = arith.index_cast %parallel_loop3A_340 : i32 to index
      %parallel_loop3A_398 = tpu.vector_load %arg6[%parallel_loop3A_395, %parallel_loop3A_396, %parallel_loop3A_397] {strides = array<i32>} : memref<16x8x128xf32, #tpu.memory_space<vmem>>, vector<16xf32>,
      %parallel_loop3A_399 = arith.constant 11 : i32
      %parallel_loop3A_400 = arith.index_cast %parallel_loop3A_399 : i32 to index
      %parallel_loop3A_401 = arith.index_cast %parallel_loop3A_336 : i32 to index
      %parallel_loop3A_402 = arith.index_cast %parallel_loop3A_340 : i32 to index
      %parallel_loop3A_403 = tpu.vector_load %arg6[%parallel_loop3A_400, %parallel_loop3A_401, %parallel_loop3A_402] {strides = array<i32>} : memref<16x8x128xf32, #tpu.memory_space<vmem>>, vector<16xf32>,
      %parallel_loop3A_404 = arith.constant 12 : i32
      %parallel_loop3A_405 = arith.index_cast %parallel_loop3A_404 : i32 to index
      %parallel_loop3A_406 = arith.index_cast %parallel_loop3A_336 : i32 to index
      %parallel_loop3A_407 = arith.index_cast %parallel_loop3A_340 : i32 to index
      %parallel_loop3A_408 = tpu.vector_load %arg6[%parallel_loop3A_405, %parallel_loop3A_406, %parallel_loop3A_407] {strides = array<i32>} : memref<16x8x128xf32, #tpu.memory_space<vmem>>, vector<16xf32>,
      %parallel_loop3A_409 = arith.constant 13 : i32
      %parallel_loop3A_410 = arith.index_cast %parallel_loop3A_409 : i32 to index
      %parallel_loop3A_411 = arith.index_cast %parallel_loop3A_336 : i32 to index
      %parallel_loop3A_412 = arith.index_cast %parallel_loop3A_340 : i32 to index
      %parallel_loop3A_413 = tpu.vector_load %arg6[%parallel_loop3A_410, %parallel_loop3A_411, %parallel_loop3A_412] {strides = array<i32>} : memref<16x8x128xf32, #tpu.memory_space<vmem>>, vector<16xf32>,
      %parallel_loop3A_414 = arith.constant 14 : i32
      %parallel_loop3A_415 = arith.index_cast %parallel_loop3A_414 : i32 to index
      %parallel_loop3A_416 = arith.index_cast %parallel_loop3A_336 : i32 to index
      %parallel_loop3A_417 = arith.index_cast %parallel_loop3A_340 : i32 to index
      %parallel_loop3A_418 = tpu.vector_load %arg6[%parallel_loop3A_415, %parallel_loop3A_416, %parallel_loop3A_417] {strides = array<i32>} : memref<16x8x128xf32, #tpu.memory_space<vmem>>, vector<16xf32>,
      %parallel_loop3A_419 = arith.constant 15 : i32
      %parallel_loop3A_420 = arith.index_cast %parallel_loop3A_419 : i32 to index
      %parallel_loop3A_421 = arith.index_cast %parallel_loop3A_336 : i32 to index
      %parallel_loop3A_422 = arith.index_cast %parallel_loop3A_340 : i32 to index
      %parallel_loop3A_423 = tpu.vector_load %arg6[%parallel_loop3A_420, %parallel_loop3A_421, %parallel_loop3A_422] {strides = array<i32>} : memref<16x8x128xf32, #tpu.memory_space<vmem>>, vector<16xf32>,
      %parallel_loop3A_424 = tpu.vector_load_idx %arg8[%parallel_loop3A_343, %broadcast_in_dim3A_5] : memref<144x16xf32, #tpu.memory_space<vmem>>[vector<16xi32>, vector<16xi32>], vector<16xf32>,
      %parallel_loop3A_425 = tpu.vector_load_idx %arg8[%parallel_loop3A_343, %broadcast_in_dim3A_7] : memref<144x16xf32, #tpu.memory_space<vmem>>[vector<16xi32>, vector<16xi32>], vector<16xf32>,
      %parallel_loop3A_426 = tpu.vector_load_idx %arg8[%parallel_loop3A_343, %broadcast_in_dim3A_9] : memref<144x16xf32, #tpu.memory_space<vmem>>[vector<16xi32>, vector<16xi32>], vector<16xf32>,
      %parallel_loop3A_427 = tpu.vector_load_idx %arg8[%parallel_loop3A_343, %broadcast_in_dim3A_11] : memref<144x16xf32, #tpu.memory_space<vmem>>[vector<16xi32>, vector<16xi32>], vector<16xf32>,
      %parallel_loop3A_428 = tpu.vector_load_idx %arg8[%parallel_loop3A_343, %broadcast_in_dim3A_13] : memref<144x16xf32, #tpu.memory_space<vmem>>[vector<16xi32>, vector<16xi32>], vector<16xf32>,
      %parallel_loop3A_429 = tpu.vector_load_idx %arg8[%parallel_loop3A_343, %broadcast_in_dim3A_15] : memref<144x16xf32, #tpu.memory_space<vmem>>[vector<16xi32>, vector<16xi32>], vector<16xf32>,
      %parallel_loop3A_430 = tpu.vector_load_idx %arg8[%parallel_loop3A_343, %broadcast_in_dim3A_17] : memref<144x16xf32, #tpu.memory_space<vmem>>[vector<16xi32>, vector<16xi32>], vector<16xf32>,
      %parallel_loop3A_431 = tpu.vector_load_idx %arg8[%parallel_loop3A_343, %broadcast_in_dim3A_19] : memref<144x16xf32, #tpu.memory_space<vmem>>[vector<16xi32>, vector<16xi32>], vector<16xf32>,
      %parallel_loop3A_432 = tpu.vector_load_idx %arg8[%parallel_loop3A_343, %broadcast_in_dim3A_21] : memref<144x16xf32, #tpu.memory_space<vmem>>[vector<16xi32>, vector<16xi32>], vector<16xf32>,
      %parallel_loop3A_433 = tpu.vector_load_idx %arg8[%parallel_loop3A_343, %broadcast_in_dim3A_23] : memref<144x16xf32, #tpu.memory_space<vmem>>[vector<16xi32>, vector<16xi32>], vector<16xf32>,
      %parallel_loop3A_434 = tpu.vector_load_idx %arg8[%parallel_loop3A_343, %broadcast_in_dim3A_25] : memref<144x16xf32, #tpu.memory_space<vmem>>[vector<16xi32>, vector<16xi32>], vector<16xf32>,
      %parallel_loop3A_435 = tpu.vector_load_idx %arg8[%parallel_loop3A_343, %broadcast_in_dim3A_27] : memref<144x16xf32, #tpu.memory_space<vmem>>[vector<16xi32>, vector<16xi32>], vector<16xf32>,
      %parallel_loop3A_436 = tpu.vector_load_idx %arg8[%parallel_loop3A_343, %broadcast_in_dim3A_29] : memref<144x16xf32, #tpu.memory_space<vmem>>[vector<16xi32>, vector<16xi32>], vector<16xf32>,
      %parallel_loop3A_437 = tpu.vector_load_idx %arg8[%parallel_loop3A_343, %broadcast_in_dim3A_31] : memref<144x16xf32, #tpu.memory_space<vmem>>[vector<16xi32>, vector<16xi32>], vector<16xf32>,
      %parallel_loop3A_438 = tpu.vector_load_idx %arg8[%parallel_loop3A_343, %broadcast_in_dim3A_33] : memref<144x16xf32, #tpu.memory_space<vmem>>[vector<16xi32>, vector<16xi32>], vector<16xf32>,
      %parallel_loop3A_439 = tpu.vector_load_idx %arg8[%parallel_loop3A_343, %broadcast_in_dim3A_35] : memref<144x16xf32, #tpu.memory_space<vmem>>[vector<16xi32>, vector<16xi32>], vector<16xf32>,
      %parallel_loop3A_440 = arith.constant 4 : i32
      %parallel_loop3A_441 = vector.broadcast %parallel_loop3A_440 : i32 to vector<16xi32>
      %parallel_loop3A_442 = arith.shrsi %parallel_loop3A_343, %parallel_loop3A_441 : vector<16xi32>
      %parallel_loop3A_443 = arith.constant 136 : i32
      %parallel_loop3A_444 = vector.broadcast %parallel_loop3A_443 : i32 to vector<16xi32>
      %parallel_loop3A_445 = arith.addi %parallel_loop3A_444, %parallel_loop3A_442 : vector<16xi32>
      %parallel_loop3A_446 = arith.constant 15 : i32
      %parallel_loop3A_447 = vector.broadcast %parallel_loop3A_446 : i32 to vector<16xi32>
      %parallel_loop3A_448 = arith.andi %parallel_loop3A_343, %parallel_loop3A_447 : vector<16xi32>
      %parallel_loop3A_449 = tpu.vector_load_idx %arg8[%parallel_loop3A_445, %parallel_loop3A_448] : memref<144x16xf32, #tpu.memory_space<vmem>>[vector<16xi32>, vector<16xi32>], vector<16xf32>,
      %parallel_loop3A_450 = arith.mulf %parallel_loop3A_348, %parallel_loop3A_424 : vector<16xf32>
      %parallel_loop3A_451 = arith.mulf %parallel_loop3A_353, %parallel_loop3A_425 : vector<16xf32>
      %parallel_loop3A_452 = arith.mulf %parallel_loop3A_358, %parallel_loop3A_426 : vector<16xf32>
      %parallel_loop3A_453 = arith.mulf %parallel_loop3A_363, %parallel_loop3A_427 : vector<16xf32>
      %parallel_loop3A_454 = arith.mulf %parallel_loop3A_368, %parallel_loop3A_428 : vector<16xf32>
      %parallel_loop3A_455 = arith.mulf %parallel_loop3A_373, %parallel_loop3A_429 : vector<16xf32>
      %parallel_loop3A_456 = arith.mulf %parallel_loop3A_378, %parallel_loop3A_430 : vector<16xf32>
      %parallel_loop3A_457 = arith.mulf %parallel_loop3A_383, %parallel_loop3A_431 : vector<16xf32>
      %parallel_loop3A_458 = arith.mulf %parallel_loop3A_388, %parallel_loop3A_432 : vector<16xf32>
      %parallel_loop3A_459 = arith.mulf %parallel_loop3A_393, %parallel_loop3A_433 : vector<16xf32>
      %parallel_loop3A_460 = arith.mulf %parallel_loop3A_398, %parallel_loop3A_434 : vector<16xf32>
      %parallel_loop3A_461 = arith.mulf %parallel_loop3A_403, %parallel_loop3A_435 : vector<16xf32>
      %parallel_loop3A_462 = arith.mulf %parallel_loop3A_408, %parallel_loop3A_436 : vector<16xf32>
      %parallel_loop3A_463 = arith.mulf %parallel_loop3A_413, %parallel_loop3A_437 : vector<16xf32>
      %parallel_loop3A_464 = arith.mulf %parallel_loop3A_418, %parallel_loop3A_438 : vector<16xf32>
      %parallel_loop3A_465 = arith.mulf %parallel_loop3A_423, %parallel_loop3A_439 : vector<16xf32>
      %parallel_loop3A_466 = arith.addf %parallel_loop3A_450, %parallel_loop3A_451 : vector<16xf32>
      %parallel_loop3A_467 = arith.addf %parallel_loop3A_452, %parallel_loop3A_453 : vector<16xf32>
      %parallel_loop3A_468 = arith.addf %parallel_loop3A_454, %parallel_loop3A_455 : vector<16xf32>
      %parallel_loop3A_469 = arith.addf %parallel_loop3A_456, %parallel_loop3A_457 : vector<16xf32>
      %parallel_loop3A_470 = arith.addf %parallel_loop3A_458, %parallel_loop3A_459 : vector<16xf32>
      %parallel_loop3A_471 = arith.addf %parallel_loop3A_460, %parallel_loop3A_461 : vector<16xf32>
      %parallel_loop3A_472 = arith.addf %parallel_loop3A_462, %parallel_loop3A_463 : vector<16xf32>
      %parallel_loop3A_473 = arith.addf %parallel_loop3A_464, %parallel_loop3A_465 : vector<16xf32>
      %parallel_loop3A_474 = arith.addf %parallel_loop3A_466, %parallel_loop3A_467 : vector<16xf32>
      %parallel_loop3A_475 = arith.addf %parallel_loop3A_468, %parallel_loop3A_469 : vector<16xf32>
      %parallel_loop3A_476 = arith.addf %parallel_loop3A_470, %parallel_loop3A_471 : vector<16xf32>
      %parallel_loop3A_477 = arith.addf %parallel_loop3A_472, %parallel_loop3A_473 : vector<16xf32>
      %parallel_loop3A_478 = arith.addf %parallel_loop3A_474, %parallel_loop3A_475 : vector<16xf32>
      %parallel_loop3A_479 = arith.addf %parallel_loop3A_476, %parallel_loop3A_477 : vector<16xf32>
      %parallel_loop3A_480 = arith.addf %parallel_loop3A_478, %parallel_loop3A_479 : vector<16xf32>
      %parallel_loop3A_481 = arith.constant 5.000000e-01 : f32
      %parallel_loop3A_482 = vector.broadcast %parallel_loop3A_481 : f32 to vector<16xf32>
      %parallel_loop3A_483 = arith.subf %parallel_loop3A_482, %parallel_loop3A_480 : vector<16xf32>
      %parallel_loop3A_484 = arith.constant 0.000000e+00 : f32
      %parallel_loop3A_485 = vector.broadcast %parallel_loop3A_484 : f32 to vector<16xf32>
      %parallel_loop3A_486 = arith.maximumf %parallel_loop3A_483, %parallel_loop3A_485 : vector<16xf32>
      %parallel_loop3A_487 = arith.mulf %parallel_loop3A_486, %parallel_loop3A_449 : vector<16xf32>
      %parallel_loop3A_488 = arith.addf %parallel_loop3A_334, %parallel_loop3A_487 : vector<16xf32>
      scf.yield %parallel_loop3A_488 : vector<16xf32>
    } {sc.loop_unroll_factor = 2 : i64, sc.parallel_access}
    %get3A = arith.constant 0 : index
    %get3A_154 = tpu.vector_load %arg9[%get3A] {strides = array<i32>} : memref<32xf32, #tpu.memory_space<vmem>>, vector<16xf32>,
    %bitcast3A = vector.bitcast %get3A_154 : vector<16xf32> to vector<16xi32>
    %get3A_155 = arith.constant 0 : index
    %get3A_156 = tpu.vector_load %arg10[%get3A_155] {strides = array<i32>} : memref<32xf32, #tpu.memory_space<vmem>>, vector<16xf32>,
    %bitcast3A_157 = vector.bitcast %get3A_156 : vector<16xf32> to vector<16xi32>
    %gather3A = tpu.vector_load_idx %arg8[%bitcast3A, %broadcast_in_dim3A_5] : memref<144x16xf32, #tpu.memory_space<vmem>>[vector<16xi32>, vector<16xi32>], vector<16xf32>,
    %gather3A_158 = tpu.vector_load_idx %arg8[%bitcast3A, %broadcast_in_dim3A_7] : memref<144x16xf32, #tpu.memory_space<vmem>>[vector<16xi32>, vector<16xi32>], vector<16xf32>,
    %gather3A_159 = tpu.vector_load_idx %arg8[%bitcast3A, %broadcast_in_dim3A_9] : memref<144x16xf32, #tpu.memory_space<vmem>>[vector<16xi32>, vector<16xi32>], vector<16xf32>,
    %gather3A_160 = tpu.vector_load_idx %arg8[%bitcast3A, %broadcast_in_dim3A_11] : memref<144x16xf32, #tpu.memory_space<vmem>>[vector<16xi32>, vector<16xi32>], vector<16xf32>,
    %gather3A_161 = tpu.vector_load_idx %arg8[%bitcast3A, %broadcast_in_dim3A_13] : memref<144x16xf32, #tpu.memory_space<vmem>>[vector<16xi32>, vector<16xi32>], vector<16xf32>,
    %gather3A_162 = tpu.vector_load_idx %arg8[%bitcast3A, %broadcast_in_dim3A_15] : memref<144x16xf32, #tpu.memory_space<vmem>>[vector<16xi32>, vector<16xi32>], vector<16xf32>,
    %gather3A_163 = tpu.vector_load_idx %arg8[%bitcast3A, %broadcast_in_dim3A_17] : memref<144x16xf32, #tpu.memory_space<vmem>>[vector<16xi32>, vector<16xi32>], vector<16xf32>,
    %gather3A_164 = tpu.vector_load_idx %arg8[%bitcast3A, %broadcast_in_dim3A_19] : memref<144x16xf32, #tpu.memory_space<vmem>>[vector<16xi32>, vector<16xi32>], vector<16xf32>,
    %gather3A_165 = tpu.vector_load_idx %arg8[%bitcast3A, %broadcast_in_dim3A_21] : memref<144x16xf32, #tpu.memory_space<vmem>>[vector<16xi32>, vector<16xi32>], vector<16xf32>,
    %gather3A_166 = tpu.vector_load_idx %arg8[%bitcast3A, %broadcast_in_dim3A_23] : memref<144x16xf32, #tpu.memory_space<vmem>>[vector<16xi32>, vector<16xi32>], vector<16xf32>,
    %gather3A_167 = tpu.vector_load_idx %arg8[%bitcast3A, %broadcast_in_dim3A_25] : memref<144x16xf32, #tpu.memory_space<vmem>>[vector<16xi32>, vector<16xi32>], vector<16xf32>,
    %gather3A_168 = tpu.vector_load_idx %arg8[%bitcast3A, %broadcast_in_dim3A_27] : memref<144x16xf32, #tpu.memory_space<vmem>>[vector<16xi32>, vector<16xi32>], vector<16xf32>,
    %gather3A_169 = tpu.vector_load_idx %arg8[%bitcast3A, %broadcast_in_dim3A_29] : memref<144x16xf32, #tpu.memory_space<vmem>>[vector<16xi32>, vector<16xi32>], vector<16xf32>,
    %gather3A_170 = tpu.vector_load_idx %arg8[%bitcast3A, %broadcast_in_dim3A_31] : memref<144x16xf32, #tpu.memory_space<vmem>>[vector<16xi32>, vector<16xi32>], vector<16xf32>,
    %gather3A_171 = tpu.vector_load_idx %arg8[%bitcast3A, %broadcast_in_dim3A_33] : memref<144x16xf32, #tpu.memory_space<vmem>>[vector<16xi32>, vector<16xi32>], vector<16xf32>,
    %gather3A_172 = tpu.vector_load_idx %arg8[%bitcast3A, %broadcast_in_dim3A_35] : memref<144x16xf32, #tpu.memory_space<vmem>>[vector<16xi32>, vector<16xi32>], vector<16xf32>,
    %gather3A_173 = tpu.vector_load_idx %arg8[%bitcast3A_157, %broadcast_in_dim3A_5] : memref<144x16xf32, #tpu.memory_space<vmem>>[vector<16xi32>, vector<16xi32>], vector<16xf32>,
    %gather3A_174 = tpu.vector_load_idx %arg8[%bitcast3A_157, %broadcast_in_dim3A_7] : memref<144x16xf32, #tpu.memory_space<vmem>>[vector<16xi32>, vector<16xi32>], vector<16xf32>,
    %gather3A_175 = tpu.vector_load_idx %arg8[%bitcast3A_157, %broadcast_in_dim3A_9] : memref<144x16xf32, #tpu.memory_space<vmem>>[vector<16xi32>, vector<16xi32>], vector<16xf32>,
    %gather3A_176 = tpu.vector_load_idx %arg8[%bitcast3A_157, %broadcast_in_dim3A_11] : memref<144x16xf32, #tpu.memory_space<vmem>>[vector<16xi32>, vector<16xi32>], vector<16xf32>,
    %gather3A_177 = tpu.vector_load_idx %arg8[%bitcast3A_157, %broadcast_in_dim3A_13] : memref<144x16xf32, #tpu.memory_space<vmem>>[vector<16xi32>, vector<16xi32>], vector<16xf32>,
    %gather3A_178 = tpu.vector_load_idx %arg8[%bitcast3A_157, %broadcast_in_dim3A_15] : memref<144x16xf32, #tpu.memory_space<vmem>>[vector<16xi32>, vector<16xi32>], vector<16xf32>,
    %gather3A_179 = tpu.vector_load_idx %arg8[%bitcast3A_157, %broadcast_in_dim3A_17] : memref<144x16xf32, #tpu.memory_space<vmem>>[vector<16xi32>, vector<16xi32>], vector<16xf32>,
    %gather3A_180 = tpu.vector_load_idx %arg8[%bitcast3A_157, %broadcast_in_dim3A_19] : memref<144x16xf32, #tpu.memory_space<vmem>>[vector<16xi32>, vector<16xi32>], vector<16xf32>,
    %gather3A_181 = tpu.vector_load_idx %arg8[%bitcast3A_157, %broadcast_in_dim3A_21] : memref<144x16xf32, #tpu.memory_space<vmem>>[vector<16xi32>, vector<16xi32>], vector<16xf32>,
    %gather3A_182 = tpu.vector_load_idx %arg8[%bitcast3A_157, %broadcast_in_dim3A_23] : memref<144x16xf32, #tpu.memory_space<vmem>>[vector<16xi32>, vector<16xi32>], vector<16xf32>,
    %gather3A_183 = tpu.vector_load_idx %arg8[%bitcast3A_157, %broadcast_in_dim3A_25] : memref<144x16xf32, #tpu.memory_space<vmem>>[vector<16xi32>, vector<16xi32>], vector<16xf32>,
    %gather3A_184 = tpu.vector_load_idx %arg8[%bitcast3A_157, %broadcast_in_dim3A_27] : memref<144x16xf32, #tpu.memory_space<vmem>>[vector<16xi32>, vector<16xi32>], vector<16xf32>,
    %gather3A_185 = tpu.vector_load_idx %arg8[%bitcast3A_157, %broadcast_in_dim3A_29] : memref<144x16xf32, #tpu.memory_space<vmem>>[vector<16xi32>, vector<16xi32>], vector<16xf32>,
    %gather3A_186 = tpu.vector_load_idx %arg8[%bitcast3A_157, %broadcast_in_dim3A_31] : memref<144x16xf32, #tpu.memory_space<vmem>>[vector<16xi32>, vector<16xi32>], vector<16xf32>,
    %gather3A_187 = tpu.vector_load_idx %arg8[%bitcast3A_157, %broadcast_in_dim3A_33] : memref<144x16xf32, #tpu.memory_space<vmem>>[vector<16xi32>, vector<16xi32>], vector<16xf32>,
    %gather3A_188 = tpu.vector_load_idx %arg8[%bitcast3A_157, %broadcast_in_dim3A_35] : memref<144x16xf32, #tpu.memory_space<vmem>>[vector<16xi32>, vector<16xi32>], vector<16xf32>,
    %mul3A_189 = arith.mulf %gather3A, %gather3A_173 : vector<16xf32>
    %mul3A_190 = arith.mulf %gather3A_158, %gather3A_174 : vector<16xf32>
    %mul3A_191 = arith.mulf %gather3A_159, %gather3A_175 : vector<16xf32>
    %mul3A_192 = arith.mulf %gather3A_160, %gather3A_176 : vector<16xf32>
    %mul3A_193 = arith.mulf %gather3A_161, %gather3A_177 : vector<16xf32>
    %mul3A_194 = arith.mulf %gather3A_162, %gather3A_178 : vector<16xf32>
    %mul3A_195 = arith.mulf %gather3A_163, %gather3A_179 : vector<16xf32>
    %mul3A_196 = arith.mulf %gather3A_164, %gather3A_180 : vector<16xf32>
    %mul3A_197 = arith.mulf %gather3A_165, %gather3A_181 : vector<16xf32>
    %mul3A_198 = arith.mulf %gather3A_166, %gather3A_182 : vector<16xf32>
    %mul3A_199 = arith.mulf %gather3A_167, %gather3A_183 : vector<16xf32>
    %mul3A_200 = arith.mulf %gather3A_168, %gather3A_184 : vector<16xf32>
    %mul3A_201 = arith.mulf %gather3A_169, %gather3A_185 : vector<16xf32>
    %mul3A_202 = arith.mulf %gather3A_170, %gather3A_186 : vector<16xf32>
    %mul3A_203 = arith.mulf %gather3A_171, %gather3A_187 : vector<16xf32>
    %mul3A_204 = arith.mulf %gather3A_172, %gather3A_188 : vector<16xf32>
    %add3A_205 = arith.addf %mul3A_189, %mul3A_190 : vector<16xf32>
    %add3A_206 = arith.addf %mul3A_191, %mul3A_192 : vector<16xf32>
    %add3A_207 = arith.addf %mul3A_193, %mul3A_194 : vector<16xf32>
    %add3A_208 = arith.addf %mul3A_195, %mul3A_196 : vector<16xf32>
    %add3A_209 = arith.addf %mul3A_197, %mul3A_198 : vector<16xf32>
    %add3A_210 = arith.addf %mul3A_199, %mul3A_200 : vector<16xf32>
    %add3A_211 = arith.addf %mul3A_201, %mul3A_202 : vector<16xf32>
    %add3A_212 = arith.addf %mul3A_203, %mul3A_204 : vector<16xf32>
    %add3A_213 = arith.addf %add3A_205, %add3A_206 : vector<16xf32>
    %add3A_214 = arith.addf %add3A_207, %add3A_208 : vector<16xf32>
    %add3A_215 = arith.addf %add3A_209, %add3A_210 : vector<16xf32>
    %add3A_216 = arith.addf %add3A_211, %add3A_212 : vector<16xf32>
    %add3A_217 = arith.addf %add3A_213, %add3A_214 : vector<16xf32>
    %add3A_218 = arith.addf %add3A_215, %add3A_216 : vector<16xf32>
    %add3A_219 = arith.addf %add3A_217, %add3A_218 : vector<16xf32>
    %get3A_220 = arith.constant 0 : index
    %get3A_221 = tpu.vector_load %arg11[%get3A_220] {strides = array<i32>} : memref<32xf32, #tpu.memory_space<vmem>>, vector<16xf32>,
    %sub3A = arith.constant 1.000000e+00 : f32
    %sub3A_222 = vector.broadcast %sub3A : f32 to vector<16xf32>
    %sub3A_223 = arith.subf %sub3A_222, %add3A_219 : vector<16xf32>
    %mul3A_224 = arith.mulf %get3A_221, %sub3A_223 : vector<16xf32>
    %sub3A_225 = arith.constant 1.500000e+00 : f32
    %sub3A_226 = vector.broadcast %sub3A_225 : f32 to vector<16xf32>
    %sub3A_227 = arith.subf %sub3A_226, %mul3A_224 : vector<16xf32>
    %max3A = arith.constant 0.000000e+00 : f32
    %max3A_228 = vector.broadcast %max3A : f32 to vector<16xf32>
    %max3A_229 = arith.maximumf %sub3A_227, %max3A_228 : vector<16xf32>
    %add3A_230 = arith.addf %broadcast_in_dim3A_1, %max3A_229 : vector<16xf32>
    %get3A_231 = arith.constant 16 : index
    %get3A_232 = tpu.vector_load %arg9[%get3A_231] {strides = array<i32>} : memref<32xf32, #tpu.memory_space<vmem>>, vector<16xf32>,
    %bitcast3A_233 = vector.bitcast %get3A_232 : vector<16xf32> to vector<16xi32>
    %get3A_234 = arith.constant 16 : index
    %get3A_235 = tpu.vector_load %arg10[%get3A_234] {strides = array<i32>} : memref<32xf32, #tpu.memory_space<vmem>>, vector<16xf32>,
    %bitcast3A_236 = vector.bitcast %get3A_235 : vector<16xf32> to vector<16xi32>
    %gather3A_237 = tpu.vector_load_idx %arg8[%bitcast3A_233, %broadcast_in_dim3A_5] : memref<144x16xf32, #tpu.memory_space<vmem>>[vector<16xi32>, vector<16xi32>], vector<16xf32>,
    %gather3A_238 = tpu.vector_load_idx %arg8[%bitcast3A_233, %broadcast_in_dim3A_7] : memref<144x16xf32, #tpu.memory_space<vmem>>[vector<16xi32>, vector<16xi32>], vector<16xf32>,
    %gather3A_239 = tpu.vector_load_idx %arg8[%bitcast3A_233, %broadcast_in_dim3A_9] : memref<144x16xf32, #tpu.memory_space<vmem>>[vector<16xi32>, vector<16xi32>], vector<16xf32>,
    %gather3A_240 = tpu.vector_load_idx %arg8[%bitcast3A_233, %broadcast_in_dim3A_11] : memref<144x16xf32, #tpu.memory_space<vmem>>[vector<16xi32>, vector<16xi32>], vector<16xf32>,
    %gather3A_241 = tpu.vector_load_idx %arg8[%bitcast3A_233, %broadcast_in_dim3A_13] : memref<144x16xf32, #tpu.memory_space<vmem>>[vector<16xi32>, vector<16xi32>], vector<16xf32>,
    %gather3A_242 = tpu.vector_load_idx %arg8[%bitcast3A_233, %broadcast_in_dim3A_15] : memref<144x16xf32, #tpu.memory_space<vmem>>[vector<16xi32>, vector<16xi32>], vector<16xf32>,
    %gather3A_243 = tpu.vector_load_idx %arg8[%bitcast3A_233, %broadcast_in_dim3A_17] : memref<144x16xf32, #tpu.memory_space<vmem>>[vector<16xi32>, vector<16xi32>], vector<16xf32>,
    %gather3A_244 = tpu.vector_load_idx %arg8[%bitcast3A_233, %broadcast_in_dim3A_19] : memref<144x16xf32, #tpu.memory_space<vmem>>[vector<16xi32>, vector<16xi32>], vector<16xf32>,
    %gather3A_245 = tpu.vector_load_idx %arg8[%bitcast3A_233, %broadcast_in_dim3A_21] : memref<144x16xf32, #tpu.memory_space<vmem>>[vector<16xi32>, vector<16xi32>], vector<16xf32>,
    %gather3A_246 = tpu.vector_load_idx %arg8[%bitcast3A_233, %broadcast_in_dim3A_23] : memref<144x16xf32, #tpu.memory_space<vmem>>[vector<16xi32>, vector<16xi32>], vector<16xf32>,
    %gather3A_247 = tpu.vector_load_idx %arg8[%bitcast3A_233, %broadcast_in_dim3A_25] : memref<144x16xf32, #tpu.memory_space<vmem>>[vector<16xi32>, vector<16xi32>], vector<16xf32>,
    %gather3A_248 = tpu.vector_load_idx %arg8[%bitcast3A_233, %broadcast_in_dim3A_27] : memref<144x16xf32, #tpu.memory_space<vmem>>[vector<16xi32>, vector<16xi32>], vector<16xf32>,
    %gather3A_249 = tpu.vector_load_idx %arg8[%bitcast3A_233, %broadcast_in_dim3A_29] : memref<144x16xf32, #tpu.memory_space<vmem>>[vector<16xi32>, vector<16xi32>], vector<16xf32>,
    %gather3A_250 = tpu.vector_load_idx %arg8[%bitcast3A_233, %broadcast_in_dim3A_31] : memref<144x16xf32, #tpu.memory_space<vmem>>[vector<16xi32>, vector<16xi32>], vector<16xf32>,
    %gather3A_251 = tpu.vector_load_idx %arg8[%bitcast3A_233, %broadcast_in_dim3A_33] : memref<144x16xf32, #tpu.memory_space<vmem>>[vector<16xi32>, vector<16xi32>], vector<16xf32>,
    %gather3A_252 = tpu.vector_load_idx %arg8[%bitcast3A_233, %broadcast_in_dim3A_35] : memref<144x16xf32, #tpu.memory_space<vmem>>[vector<16xi32>, vector<16xi32>], vector<16xf32>,
    %gather3A_253 = tpu.vector_load_idx %arg8[%bitcast3A_236, %broadcast_in_dim3A_5] : memref<144x16xf32, #tpu.memory_space<vmem>>[vector<16xi32>, vector<16xi32>], vector<16xf32>,
    %gather3A_254 = tpu.vector_load_idx %arg8[%bitcast3A_236, %broadcast_in_dim3A_7] : memref<144x16xf32, #tpu.memory_space<vmem>>[vector<16xi32>, vector<16xi32>], vector<16xf32>,
    %gather3A_255 = tpu.vector_load_idx %arg8[%bitcast3A_236, %broadcast_in_dim3A_9] : memref<144x16xf32, #tpu.memory_space<vmem>>[vector<16xi32>, vector<16xi32>], vector<16xf32>,
    %gather3A_256 = tpu.vector_load_idx %arg8[%bitcast3A_236, %broadcast_in_dim3A_11] : memref<144x16xf32, #tpu.memory_space<vmem>>[vector<16xi32>, vector<16xi32>], vector<16xf32>,
    %gather3A_257 = tpu.vector_load_idx %arg8[%bitcast3A_236, %broadcast_in_dim3A_13] : memref<144x16xf32, #tpu.memory_space<vmem>>[vector<16xi32>, vector<16xi32>], vector<16xf32>,
    %gather3A_258 = tpu.vector_load_idx %arg8[%bitcast3A_236, %broadcast_in_dim3A_15] : memref<144x16xf32, #tpu.memory_space<vmem>>[vector<16xi32>, vector<16xi32>], vector<16xf32>,
    %gather3A_259 = tpu.vector_load_idx %arg8[%bitcast3A_236, %broadcast_in_dim3A_17] : memref<144x16xf32, #tpu.memory_space<vmem>>[vector<16xi32>, vector<16xi32>], vector<16xf32>,
    %gather3A_260 = tpu.vector_load_idx %arg8[%bitcast3A_236, %broadcast_in_dim3A_19] : memref<144x16xf32, #tpu.memory_space<vmem>>[vector<16xi32>, vector<16xi32>], vector<16xf32>,
    %gather3A_261 = tpu.vector_load_idx %arg8[%bitcast3A_236, %broadcast_in_dim3A_21] : memref<144x16xf32, #tpu.memory_space<vmem>>[vector<16xi32>, vector<16xi32>], vector<16xf32>,
    %gather3A_262 = tpu.vector_load_idx %arg8[%bitcast3A_236, %broadcast_in_dim3A_23] : memref<144x16xf32, #tpu.memory_space<vmem>>[vector<16xi32>, vector<16xi32>], vector<16xf32>,
    %gather3A_263 = tpu.vector_load_idx %arg8[%bitcast3A_236, %broadcast_in_dim3A_25] : memref<144x16xf32, #tpu.memory_space<vmem>>[vector<16xi32>, vector<16xi32>], vector<16xf32>,
    %gather3A_264 = tpu.vector_load_idx %arg8[%bitcast3A_236, %broadcast_in_dim3A_27] : memref<144x16xf32, #tpu.memory_space<vmem>>[vector<16xi32>, vector<16xi32>], vector<16xf32>,
    %gather3A_265 = tpu.vector_load_idx %arg8[%bitcast3A_236, %broadcast_in_dim3A_29] : memref<144x16xf32, #tpu.memory_space<vmem>>[vector<16xi32>, vector<16xi32>], vector<16xf32>,
    %gather3A_266 = tpu.vector_load_idx %arg8[%bitcast3A_236, %broadcast_in_dim3A_31] : memref<144x16xf32, #tpu.memory_space<vmem>>[vector<16xi32>, vector<16xi32>], vector<16xf32>,
    %gather3A_267 = tpu.vector_load_idx %arg8[%bitcast3A_236, %broadcast_in_dim3A_33] : memref<144x16xf32, #tpu.memory_space<vmem>>[vector<16xi32>, vector<16xi32>], vector<16xf32>,
    %gather3A_268 = tpu.vector_load_idx %arg8[%bitcast3A_236, %broadcast_in_dim3A_35] : memref<144x16xf32, #tpu.memory_space<vmem>>[vector<16xi32>, vector<16xi32>], vector<16xf32>,
    %mul3A_269 = arith.mulf %gather3A_237, %gather3A_253 : vector<16xf32>
    %mul3A_270 = arith.mulf %gather3A_238, %gather3A_254 : vector<16xf32>
    %mul3A_271 = arith.mulf %gather3A_239, %gather3A_255 : vector<16xf32>
    %mul3A_272 = arith.mulf %gather3A_240, %gather3A_256 : vector<16xf32>
    %mul3A_273 = arith.mulf %gather3A_241, %gather3A_257 : vector<16xf32>
    %mul3A_274 = arith.mulf %gather3A_242, %gather3A_258 : vector<16xf32>
    %mul3A_275 = arith.mulf %gather3A_243, %gather3A_259 : vector<16xf32>
    %mul3A_276 = arith.mulf %gather3A_244, %gather3A_260 : vector<16xf32>
    %mul3A_277 = arith.mulf %gather3A_245, %gather3A_261 : vector<16xf32>
    %mul3A_278 = arith.mulf %gather3A_246, %gather3A_262 : vector<16xf32>
    %mul3A_279 = arith.mulf %gather3A_247, %gather3A_263 : vector<16xf32>
    %mul3A_280 = arith.mulf %gather3A_248, %gather3A_264 : vector<16xf32>
    %mul3A_281 = arith.mulf %gather3A_249, %gather3A_265 : vector<16xf32>
    %mul3A_282 = arith.mulf %gather3A_250, %gather3A_266 : vector<16xf32>
    %mul3A_283 = arith.mulf %gather3A_251, %gather3A_267 : vector<16xf32>
    %mul3A_284 = arith.mulf %gather3A_252, %gather3A_268 : vector<16xf32>
    %add3A_285 = arith.addf %mul3A_269, %mul3A_270 : vector<16xf32>
    %add3A_286 = arith.addf %mul3A_271, %mul3A_272 : vector<16xf32>
    %add3A_287 = arith.addf %mul3A_273, %mul3A_274 : vector<16xf32>
    %add3A_288 = arith.addf %mul3A_275, %mul3A_276 : vector<16xf32>
    %add3A_289 = arith.addf %mul3A_277, %mul3A_278 : vector<16xf32>
    %add3A_290 = arith.addf %mul3A_279, %mul3A_280 : vector<16xf32>
    %add3A_291 = arith.addf %mul3A_281, %mul3A_282 : vector<16xf32>
    %add3A_292 = arith.addf %mul3A_283, %mul3A_284 : vector<16xf32>
    %add3A_293 = arith.addf %add3A_285, %add3A_286 : vector<16xf32>
    %add3A_294 = arith.addf %add3A_287, %add3A_288 : vector<16xf32>
    %add3A_295 = arith.addf %add3A_289, %add3A_290 : vector<16xf32>
    %add3A_296 = arith.addf %add3A_291, %add3A_292 : vector<16xf32>
    %add3A_297 = arith.addf %add3A_293, %add3A_294 : vector<16xf32>
    %add3A_298 = arith.addf %add3A_295, %add3A_296 : vector<16xf32>
    %add3A_299 = arith.addf %add3A_297, %add3A_298 : vector<16xf32>
    %get3A_300 = arith.constant 16 : index
    %get3A_301 = tpu.vector_load %arg11[%get3A_300] {strides = array<i32>} : memref<32xf32, #tpu.memory_space<vmem>>, vector<16xf32>,
    %sub3A_302 = arith.constant 1.000000e+00 : f32
    %sub3A_303 = vector.broadcast %sub3A_302 : f32 to vector<16xf32>
    %sub3A_304 = arith.subf %sub3A_303, %add3A_299 : vector<16xf32>
    %mul3A_305 = arith.mulf %get3A_301, %sub3A_304 : vector<16xf32>
    %sub3A_306 = arith.constant 1.500000e+00 : f32
    %sub3A_307 = vector.broadcast %sub3A_306 : f32 to vector<16xf32>
    %sub3A_308 = arith.subf %sub3A_307, %mul3A_305 : vector<16xf32>
    %max3A_309 = arith.constant 0.000000e+00 : f32
    %max3A_310 = vector.broadcast %max3A_309 : f32 to vector<16xf32>
    %max3A_311 = arith.maximumf %sub3A_308, %max3A_310 : vector<16xf32>
    %add3A_312 = arith.addf %add3A_230, %max3A_311 : vector<16xf32>
    %reduce_max3A = arith.constant true
    %reduce_max3A_313 = vector.broadcast %reduce_max3A : i1 to vector<16xi1>
    %reduce_max3A_314 = arith.constant -2147483648 : i32
    %reduce_max3A_315 = vector.broadcast %reduce_max3A_314 : i32 to vector<16xi32>
    %reduce_max3A_316 = arith.xori %parallel_loop3A_149, %reduce_max3A_315 : vector<16xi32>
    %reduce_max3A_317 = tpu.scan <max>, %reduce_max3A_316 masked %reduce_max3A_313 : vector<16xi32>, vector<16xi1> -> vector<16xi32>
    %reduce_max3A_318 = arith.xori %reduce_max3A_317, %reduce_max3A_315 : vector<16xi32>
    %reduce_max3A_319 = vector.extract %reduce_max3A_318[15] : i32 from vector<16xi32>
    %add3A_320 = arith.constant 1 : i32
    %add3A_321 = arith.addi %reduce_max3A_319, %add3A_320 : i32
    %broadcast_in_dim3A_322 = vector.broadcast %add3A_321 : i32 to vector<16xi32>
    %convert_element_type3A_323 = arith.sitofp %broadcast_in_dim3A_322 : vector<16xi32> to vector<16xf32>
    %div3A = arith.divf %parallel_loop3A_153, %convert_element_type3A_323 : vector<16xf32>
    %mul3A_324 = arith.constant 1.000000e+00 : f32
    %mul3A_325 = vector.broadcast %mul3A_324 : f32 to vector<16xf32>
    %mul3A_326 = arith.mulf %mul3A_325, %div3A : vector<16xf32>
    %mul3A_327 = arith.constant 0.001953125 : f32
    %mul3A_328 = vector.broadcast %mul3A_327 : f32 to vector<16xf32>
    %mul3A_329 = arith.mulf %mul3A_328, %add3A_312 : vector<16xf32>
    %add3A_330 = arith.addf %mul3A_326, %mul3A_329 : vector<16xf32>
    %swap3A_331 = arith.constant 0 : index
    %swap3A_332 = tpu.vector_load %arg14[%swap3A_331] {strides = array<i32>} : memref<16xf32, #tpu.memory_space<vmem>>, vector<16xf32>,
    tpu.vector_store %arg14[%swap3A_331], %add3A_330 {strides = array<i32>} : memref<16xf32, #tpu.memory_space<vmem>>, vector<16xf32>,
    "tpu.region"() ({
      %run_scoped3A = tpu.sem_alloc : memref<!tpu.dma_semaphore, #tpu.memory_space<semaphore_mem>>
      %dma_start3A_333 = arith.constant 0 : i32
      %dma_start3A_334 = tpu.memref_slice %arg5[%add3A, %dma_start3A_333] : memref<32x16xf32, #tpu.memory_space<hbm>> -> memref<1x16xf32, #tpu.memory_space<hbm>>
      %dma_start3A_335 = tpu.memref_squeeze %dma_start3A_334 : memref<1x16xf32, #tpu.memory_space<hbm>> -> memref<16xf32, #tpu.memory_space<hbm>>
      %dma_start3A_336 = arith.constant 0 : i32
      %dma_start3A_337 = tpu.memref_slice %arg5[%add3A, %dma_start3A_336] : memref<32x16xf32, #tpu.memory_space<hbm>> -> memref<1x16xf32, #tpu.memory_space<hbm>>
      %dma_start3A_338 = tpu.memref_squeeze %dma_start3A_337 : memref<1x16xf32, #tpu.memory_space<hbm>> -> memref<16xf32, #tpu.memory_space<hbm>>
      tpu.enqueue_dma source(%arg14 : memref<16xf32, #tpu.memory_space<vmem>>) target(%dma_start3A_338 : memref<16xf32, #tpu.memory_space<hbm>>) target_semaphore(%run_scoped3A : memref<!tpu.dma_semaphore, #tpu.memory_space<semaphore_mem>>)
      %dma_wait3A_339 = arith.constant 0 : i32
      %dma_wait3A_340 = tpu.memref_slice %arg5[%add3A, %dma_wait3A_339] : memref<32x16xf32, #tpu.memory_space<hbm>> -> memref<1x16xf32, #tpu.memory_space<hbm>>
      %dma_wait3A_341 = tpu.memref_squeeze %dma_wait3A_340 : memref<1x16xf32, #tpu.memory_space<hbm>> -> memref<16xf32, #tpu.memory_space<hbm>>
      %dma_wait3A_342 = arith.constant 0 : i32
      %dma_wait3A_343 = tpu.memref_slice %arg5[%add3A, %dma_wait3A_342] : memref<32x16xf32, #tpu.memory_space<hbm>> -> memref<1x16xf32, #tpu.memory_space<hbm>>
      %dma_wait3A_344 = tpu.memref_squeeze %dma_wait3A_343 : memref<1x16xf32, #tpu.memory_space<hbm>> -> memref<16xf32, #tpu.memory_space<hbm>>
      tpu.wait_dma2 semaphore(%run_scoped3A : memref<!tpu.dma_semaphore, #tpu.memory_space<semaphore_mem>>) src(%arg14 : memref<16xf32, #tpu.memory_space<vmem>>) dst(%dma_wait3A_344 : memref<16xf32, #tpu.memory_space<hbm>>)
      tpu.yield
    }) : () -> ()
    return
  }
}

</mosaic_0001>

<sc_bundles>
// kernel: _run.3.cloned.1.call-start
scs
__scs_entry_jumppad:
0x0: {  	(pc) =	sbr.rel $0x88, $3  }
0x1: {  	(tag) =	ssettag $0x0;
	lr =	simm.s32 $0x1  }
0x2: {  	[smem:$0x3F9E] =	sst lr;
	_ =	strace $0xD0000000  }
0x3: {  	_ = 	snop  }
0x4: {  	_ = 	snop  }
0x5: {  	_ = 	snop  }
0x6: {  	_ = 	snop  }
0x7: {  	_ = 	snop  }
__scs_overlays_trampoline_lowered:
0x8: {  	[smem:$0x3FAD] =	sst s0  }
0x9: {  	[smem:$0x3FAE] =	sst s1  }
0xa: {  	[smem:$0x3FAF] =	sst s2  }
0xb: {  	[smem:$0x3FB0] =	sst s3  }
0xc: {  	[smem:$0x3FB1] =	sst s4  }
0xd: {  	[smem:$0x3FB2] =	sst s5  }
0xe: {  	[smem:$0x3FB3] =	sst s6  }
0xf: {  	[smem:$0x3FB4] =	sst s7  }
0x10: {  	[smem:$0x3FB5] =	sst s8  }
0x11: {  	[smem:$0x3FB6] =	sst s9;
	s0 =	simm.s32 @!p0 $0x0  }
0x12: {  	s1 =	sld [smem:$0x3F9C];
	s0 =	simm.s32 @p0 $0x1  }
0x13: {  	[smem:$0x3FB7] =	sst s0;
	s0 =	simm.s32 @!p1 $0x0  }
0x14: {  	s2 =	sld [smem:$0x3F9B];
	s0 =	simm.s32 @p1 $0x1  }
0x15: {  	[smem:$0x3FB8] =	sst s0;
	s0 =	simm.s32 @!p2 $0x0  }
0x16: {  	s3 =	sld [smem:$0x3FDB];
	s0 =	simm.s32 @p2 $0x1  }
0x17: {  	s4 =	simm.s32 $0x1BF5;
	[smem:$0x3FBA] =	sst s0  }
0x18: {  	s0 =	sld [smem:$0x3F9D];
	_ =	swait.ge [sflag:s4], $0x0  }
0x19: {  	s7 =	sld [smem:$0x3F9E]  }
0x1a: {  	s8 =	sadd.s32 $0xFFFFE003, lr  }
0x1b: {  	s9 =	sadd.s32 $0xFFFFFEF7, lr;
	s5 =	simm.s32 $0xFFFFFFFF;
	p2 =	slt.u32 s8, $0xFFFFF086  }
0x1c: {  	p1 =	slt.u32 s9, $0xF7A;
	s5 =	simm.s32 @!p2 $0x0  }
0x1d: {  	s5 =	simm.s32 @p1 $0x1;
	p0 =	seq.s32 s7, s2  }
0x1e: {  	s7 =	smul.u32 @!p0 $0xF7A, s2;
	p2 =	seq.s32 @!p0 s5, $0x0  }
0x1f: {  	s9 =	smul.u32 $0xF7A, s1;
	s8 =	simm.s32 @!p0 $0x1BF5;
	p2 =	por !p2, p0  }
0x20: {  	[sflag:s8] =	ssyncset.s32 @!p0 $0xFFFFF086;
	s6 =	sadd.s32 @!p0 s3, s7;
	s7 =	simm.s32 @!p0 $0x108  }
0x21: {  	s3 =	sadd.s32 s3, s9;
	s6 =	sadd.s32 @!p0 $0x88, s6;
	s7 =	simm.s32 @p2 $0x1082  }
0x22: {  	[simem:s7], [sflag:s8] =	dma.local @!p0 [hbm:s6], $0xF7A  }
0x23: {  	s9 =	sor.u32 $0xD0000000, s2;
	s6 =	simm.s32 $0x108;
	_ =	swait.ge @!p0 [sflag:s8], $0x0  }
0x24: {  	s3 =	sadd.s32 $0x88, s3;
	s6 =	simm.s32 @!p1 $0x1082;
	[sflag:s4] =	ssyncset.s32 $0xFFFFF086  }
0x25: {  	[simem:s6], [sflag:s4] =	dma.local [hbm:s3], $0xF7A  }
0x26: {  	[smem:$0x3F9E] =	sst s1;
	(tag) =	ssettag s2;
	_ =	strace s9  }
0x27: {  	s1 =	sld [smem:$0x3FAE]  }
0x28: {  	s2 =	sld [smem:$0x3FAF]  }
0x29: {  	s4 =	sld [smem:$0x3FB1]  }
0x2a: {  	p0 =	seq.s32 s5, $0x0;
	s5 =	sld [smem:$0x3FB2]  }
0x2b: {  	s6 =	sld [smem:$0x3FB3]  }
0x2c: {  	s7 =	sld [smem:$0x3FB4]  }
0x2d: {  	s3 =	simm.s32 $0x108;
	s8 =	sld [smem:$0x3FB5]  }
0x2e: {  	s3 =	simm.s32 @!p0 $0x1082;
	s9 =	sld [smem:$0x3FB6]  }
0x2f: {  	lr =	sadd.s32 s0, s3;
	s0 =	sld [smem:$0x3FAD]  }
0x30: {  	s3 =	sld [smem:$0x3FB0]  }
0x31: {  	[smem:$0x3FB9] =	sst s10  }
0x32: {  	s10 =	sld [smem:$0x3FB7];
	_ =	sdelay $0x3  }
0x33: {  	p0 =	seq.s32 s10, $0x1;
	s10 =	sld [smem:$0x3FB9];
	_ =	sdelay $0x3  }
0x34: {  	[smem:$0x3FB9] =	sst s10  }
0x35: {  	s10 =	sld [smem:$0x3FB8];
	_ =	sdelay $0x3  }
0x36: {  	p1 =	seq.s32 s10, $0x1;
	s10 =	sld [smem:$0x3FB9];
	_ =	sdelay $0x3  }
0x37: {  	[smem:$0x3FB9] =	sst s10  }
0x38: {  	s10 =	sld [smem:$0x3FBA]  }
0x39: {  	_ = 	snop;
	(pc) =	sbr.ind lr, $3  }
0x3a: {  	_ = 	snop  }
0x3b: {  	_ = 	snop  }
0x3c: {  	p2 =	seq.s32 s10, $0x1;
	s10 =	sld [smem:$0x3FB9]  }
0x3d: {  	_ =	shalt  }
0x3e: {  	_ =	shalt  }
0x3f: {  	_ =	shalt  }
0x40: {  	_ =	shalt  }
0x41: {  	_ =	shalt  }
0x42: {  	_ =	shalt  }
0x43: {  	_ =	shalt  }
0x44: {  	_ =	shalt  }
0x45: {  	_ =	shalt  }
0x46: {  	_ =	shalt  }
0x47: {  	_ =	shalt  }
0x48: {  	_ =	shalt  }
0x49: {  	_ =	shalt  }
0x4a: {  	_ =	shalt  }
0x4b: {  	_ =	shalt  }
0x4c: {  	_ =	shalt  }
0x4d: {  	_ =	shalt  }
0x4e: {  	_ =	shalt  }
0x4f: {  	_ =	shalt  }
0x50: {  	_ =	shalt  }
0x51: {  	_ =	shalt  }
0x52: {  	_ =	shalt  }
0x53: {  	_ =	shalt  }
0x54: {  	_ =	shalt  }
0x55: {  	_ =	shalt  }
0x56: {  	_ =	shalt  }
0x57: {  	_ =	shalt  }
0x58: {  	_ =	shalt  }
0x59: {  	_ =	shalt  }
0x5a: {  	_ =	shalt  }
0x5b: {  	_ =	shalt  }
0x5c: {  	_ =	shalt  }
0x5d: {  	_ =	shalt  }
0x5e: {  	_ =	shalt  }
0x5f: {  	_ =	shalt  }
0x60: {  	_ =	shalt  }
0x61: {  	_ =	shalt  }
0x62: {  	_ =	shalt  }
0x63: {  	_ =	shalt  }
0x64: {  	_ =	shalt  }
0x65: {  	_ =	shalt  }
0x66: {  	_ =	shalt  }
0x67: {  	_ =	shalt  }
0x68: {  	_ =	shalt  }
0x69: {  	_ =	shalt  }
0x6a: {  	_ =	shalt  }
0x6b: {  	_ =	shalt  }
0x6c: {  	_ =	shalt  }
0x6d: {  	_ =	shalt  }
0x6e: {  	_ =	shalt  }
0x6f: {  	_ =	shalt  }
0x70: {  	_ =	shalt  }
0x71: {  	_ =	shalt  }
0x72: {  	_ =	shalt  }
0x73: {  	_ =	shalt  }
0x74: {  	_ =	shalt  }
0x75: {  	_ =	shalt  }
0x76: {  	_ =	shalt  }
0x77: {  	_ =	shalt  }
0x78: {  	_ =	shalt  }
0x79: {  	_ =	shalt  }
0x7a: {  	_ =	shalt  }
0x7b: {  	_ =	shalt  }
0x7c: {  	_ =	shalt  }
0x7d: {  	_ =	shalt  }
0x7e: {  	_ =	shalt  }
0x7f: {  	_ =	shalt  }
0x80: {  	_ =	shalt  }
0x81: {  	_ =	shalt  }
0x82: {  	_ =	shalt  }
0x83: {  	_ =	shalt  }
0x84: {  	_ =	shalt  }
0x85: {  	_ =	shalt  }
0x86: {  	_ =	shalt  }
0x87: {  	_ =	shalt  }
.Lfunc_end0:
.L_simem_size_0:
called_computation_lowered:
.L_overlay_start_0:
0x88: {  	s2 =	sld [smem:$0x3FD9]  }
0x89: {  	s3 =	sld [smem:$0x3FFE];
	_ =	sdelay $0x1  }
0x8a: {  	s1 =	srdreg.scid  }
0x8b: {  	s0 =	sand.u32 $0x1, s1  }
0x8c: {  	s17 =	sshll.u32 s0, $0xA;
	s2 =	sadd.s32 s3, s2  }
0x8d: {  	s2 =	sadd.s32 s2, s17  }
0x8e: {  	[smem:$0x3FC5] =	sst s2  }
0x8f: {  	_ = 	snop  }
0x90: {  	s2 =	sld [smem:$0x3FC9]  }
0x91: {  	s18 =	sld [smem:$0x3FC8];
	(tm) =	ssettm $0x1  }
0x92: {  	s4 =	sld [smem:$0x3FFB];
	_ =	sdelay $0x3  }
0x93: {  	_ =	strace s4  }
0x94: {  	s4 =	sld [smem:$0x3FFC];
	_ =	sdelay $0x3  }
0x95: {  	_ =	strace s4  }
0x96: {  	s4 =	sld [smem:$0x3FFD];
	_ =	sdelay $0x3  }
0x97: {  	_ =	strace s4  }
0x98: {  	_ =	strace $0x8FFFFFFF  }
0x99: {  	s19 =	sld [smem:$0x3FDB];
	_ =	sdelay $0x1  }
0x9a: {  	s5 =	simm.s32 $_scs_section_size  }
0x9b: {  	s6 =	simm.s32 $_size__tile_overlayer_lowered;
	s7 =	simm.s32 $_tile_overlayer_lowered  }
0x9c: {  	s22 =	simm.s32 $0x1BFF;
	s21 =	sshll.u32 s7, $0x1;
	s4 =	sadd.s32 s5, s19  }
0x9d: {  	s8 =	simm.s32 $0x0;
	s20 =	sshll.u32 s6, $0x1;
	s6 =	sadd.s32 s21, s4  }
0x9e: {  	[timem:s8], [sflag:s22] =	dma.local [hbm:s6], s20  }
0x9f: {  	_ =	swait.ge [sflag:s22], s20  }
0xa0: {  	s5 =	ssub.s32 $0x0, s20;
	[sflag:s22] =	ssyncset.done $0x0  }
0xa1: {  	[sflag:s22] =	ssyncadd.s32 s5;
	_ =	sdelay $0x1  }
0xa2: {  	s23 =	simm.s32 $0x1B8B  }
0xa3: {  	_ =	swait.ge [sflag:s23], $0x1  }
0xa4: {  	[sflag:s23] =	ssyncset.done $0x0  }
0xa5: {  	s25 =	simm.s32 $0x1B8E;
	s24 =	sld [smem:$0x3FFE];
	[sflag:s23] =	ssyncadd.s32 $0xFFFFFFFF  }
0xa6: {  	s26 =	simm.s32 $execute0_lowered;
	[smem:$0x3FD2] =	sst s25  }
0xa7: {  	s6 =	sshll.u32 s26, $0x1;
	_ =	strace $0x80000046;
	[dreg:$0x1] =	wrdreg $0xFFFFFFFF  }
0xa8: {  	s28 =	simm.s32 $_size_execute0_lowered;
	s4 =	sadd.s32 s4, s6;
	[dreg:$0x0] =	wrdreg $0x0  }
0xa9: {  	s6 =	sshll.u32 s28, $0x1;
	[dreg:$0x2] =	wrdreg s4  }
0xaa: {  	[dreg:$0x3] =	wrdreg s6  }
0xab: {  	[dreg:$0x4] =	wrdreg $0xC0  }
0xac: {  	_ =	task [dreg:s8], $0x5FFFF  }
0xad: {  	[dreg:$0x1] =	wrdreg $0xFFFFFFFF  }
0xae: {  	[dreg:$0x0] =	wrdreg $0x60  }
0xaf: {  	[dreg:$0x2] =	wrdreg s2  }
0xb0: {  	[dreg:$0x3] =	wrdreg s18  }
0xb1: {  	[dreg:$0x4] =	wrdreg s24  }
0xb2: {  	[dreg:$0x5] =	wrdreg $0x4E000  }
0xb3: {  	[dreg:$0x6] =	wrdreg $0x9  }
0xb4: {  	_ =	task.clear_ibuf [dreg:s8], $0x7FFFF;
	_ =	strace $0x90000046  }
0xb5: {  	s29 =	simm.s32 $0x9;
	_ =	strace $0x80000048  }
0xb6: {  	_ =	swait.ge [sflag:s29], $0x1  }
0xb7: {  	[sflag:s29] =	ssyncadd.s32 $0xFFFFFFFF  }
0xb8: {  	_ =	strace $0x90000048  }
0xb9: {  	_ =	sfence  }
0xba: {  	s30 =	sld [smem:$0x0];
	_ =	sdelay $0x2  }
0xbb: {  	s31 =	sshll.u32 s1, $0xD;
	s1 =	sshrl.u32 s1, $0x2  }
0xbc: {  	s3 =	sand.u32 $0x4000, s31;
	s1 =	sadd.s32 s1, s30  }
0xbd: {  	s0 =	sor.u32 s3, s0;
	s1 =	sshll.u32 s1, $0x11  }
0xbe: {  	s0 =	sor.u32 s1, s0  }
0xbf: {  	s0 =	sadd.s32 $0x8F2B, s0  }
0xc0: {  	[sflag:s0] =	ssyncadd.remote.s32 $0x1  }
0xc1: {  	_ =	sfence.sel $0xFFFF  }
0xc2: {  	[dreg:$0x0] =	wrdreg $0xFFFFFFFF;
	(pc) =	sbr.abs _section_cstart, $3  }
0xc3: {  	[dreg:$0x1] =	wrdreg $0xFFFFFFFF  }
0xc4: {  	_ =	task.clear_ibuf [dreg:s8], $0x2FFFF;
	_ =	strace $0x9FFFFFFF  }
0xc5: {  	(tm) =	ssettm $0x7FFFFFFF  }
tec
execute0_lowered:
.L_overlay_start_1:
0x0: {  	(tag) =	ssettag $0x1  }
0x1: {  	s0 =	rddreg [dreg:$0x0]  }
0x2: {  	s3 =	rddreg [dreg:$0x1]  }
0x3: {  	s4 =	rddreg [dreg:$0x2]  }
0x4: {  	s1 =	rddreg [dreg:$0x3]  }
0x5: {  	s5 =	srdreg.scid;
	s2 =	simm.s32 $0x0;
	s10 =	stileid.u32  }
0x6: {  	s15 =	simm.s32 $0x1;
	s16 =	simm.s32 $0x4400;
	s5 =	sand.u32 $0x1, s5  }
0x7: {  	[smem:$0x7FF] =	sst s2;
	s7 =	sshll.u32 s10, $0x1;
	s22 =	sshll.u32 s10, $0xA  }
0x8: {  	s13 =	sshll.u32 s10, $0x5;
	p0 =	sne.s32 s10, $0x0;
	s6 =	ssub.s32 $0x2, s5  }
0x9: {  	_ =	strace $0x80000047;
	s9 =	sadd.s32 s7, s4;
	s21 =	sshll.u32 s5, $0x12  }
0xa: {  	v25 =	vlaneseq.u32;
	s23 =	sshll.u32 s5, $0xE;
	s12 =	smul.u32 $0x600, s5;
	s5 =	sshll.u32 s5, $0x5  }
0xb: {  	v1 =	vor.u32 $0x10, v25;
	s8 =	sshrl.u32 s6, $0x1;
	s7 =	sor.u32 s22, s23;
	s31 =	sadd.s32 s5, s9  }
0xc: {  	[tilespmem:$0x1FF80] =	vst v1;
	v1 =	vor.u32 $0x20, v25;
	s11 =	ssub.s32 s6, s8;
	s6 =	sor.u32 s22, s21;
	s7 =	sshrl.u32 s7, $0x3  }
0xd: {  	[tilespmem:$0x1FF90] =	vst v1;
	v1 =	vor.u32 $0x30, v25;
	s24 =	sor.u32 s13, s12;
	s8 =	sadd.s32 $0x200, s31;
	s6 =	sshrl.u32 s6, $0x3  }
0xe: {  	[tilespmem:$0x1FFA0] =	vst v1;
	v1 =	vor.u32 $0x40, v25;
	s25 =	sadd.s32 s3, s7;
	s26 =	sshrl.u32 s24, $0x3;
	s28 =	sadd.s32 $0x200, s24  }
0xf: {  	s29 =	sadd.s32 $0x400, s24;
	[tilespmem:$0x1FFB0] =	vst v1;
	v1 =	vor.u32 $0x50, v25;
	s0 =	sadd.s32 s0, s6;
	[dreg:$0x6] =	wrdreg s25  }
0x10: {  	s3 =	sshrl.u32 s29, $0x3;
	[tilespmem:$0x1FFC0] =	vst v1;
	v1 =	vor.u32 $0x60, v25;
	[dreg:$0x5] =	wrdreg s0;
	s0 =	sadd.s32 s4, s26  }
0x11: {  	s30 =	sadd.s32 s4, s3;
	[tilespmem:$0x1FFD0] =	vst v1;
	v1 =	vor.u32 $0x70, v25;
	[dreg:$0x7] =	wrdreg s0;
	s0 =	sshrl.u32 s28, $0x3  }
0x12: {  	s22 =	simm.s32 $0x2;
	[dreg:$0x9] =	wrdreg s30;
	[tilespmem:$0x1FFE0] =	vst v1;
	v1 =	vor.u32 $0x80, v25;
	s0 =	sadd.s32 s4, s0  }
0x13: {  	v0 =	vimm.f32 $0.0e+00;
	v24 =	vimm.f32 $1.000000000e+00;
	s9 =	smax.u32 s11, $0x1;
	s24 =	simm.s32 $0x0;
	[tilespmem:$0x1FFF0] =	vst v1;
	[dreg:$0x8] =	wrdreg s0  }
.LBB2_1:
0x14: {  	s0 =	rddreg [dreg:$0x5];
	s3 =	simm.s32 $0x400;
	s4 =	simm.s32 $0x4000  }
0x15: {  	[tilespmem:s2], [sflag:$0x1] =	stream.strided.gather [hbm4b:s0+s3], $0x4000, s4, s3, $0x38;
	[tilespmem:$0x4E90] =	vst v63  }
0x16: {  	s23 =	rddreg [dreg:$0x6]  }
0x17: {  	[tilespmem:s4], [sflag:$0x1] =	stream.linear.gather [hbm4b:s23+s2], $0x400, $0x38;
	[tilespmem:$0x4E90] =	vst v63  }
0x18: {  	s25 =	rddreg [dreg:$0x7];
	s26 =	simm.s32 $0x4D00  }
0x19: {  	[tilespmem:s26], [sflag:$0x1] =	stream.linear.gather [hbm4b:s25+s2], $0x20, $0x38;
	[tilespmem:$0x4E90] =	vst v63  }
0x1a: {  	s28 =	rddreg [dreg:$0x8];
	s29 =	simm.s32 $0x4D20  }
0x1b: {  	[tilespmem:s29], [sflag:$0x1] =	stream.linear.gather [hbm4b:s28+s2], $0x20, $0x38;
	[tilespmem:$0x4E90] =	vst v63  }
0x1c: {  	s30 =	rddreg [dreg:$0x9];
	s31 =	simm.s32 $0x4D40;
	s0 =	simm.s32 $0x4420  }
0x1d: {  	[tilespmem:s31], [sflag:$0x1] =	stream.linear.gather [hbm4b:s30+s2], $0x20, $0x38;
	[tilespmem:$0x4E90] =	vst v63  }
0x1e: {  	[tilespmem:s0+$0xFFFFFFE0] =	vst v0  }
0x1f: {  	[tilespmem:s0+$0x10] =	vst v0  }
0x20: {  	s3 =	simm.s32 $0x0;
	[tilespmem:s0+$0x0] =	vst v0  }
.LBB2_2:
0x21: {  	s3 =	sadd.s32 $0x4, s3  }
0x22: {  	[tilespmem:s0+$0xFFFFFFF0] =	vst v0;
	s0 =	sadd.s32 $0x40, s0;
	p1 =	slt.u32 s3, $0x8C  }
.Ltmp0:
0x23: {  	[tilespmem:s0+$0xFFFFFFE0] =	vst v0;
	(pc) =	sbr.rel @p1 .LBB2_2-.Ltmp0, $3  }
0x24: {  	_ =	sdelay $0x1  }
0x25: {  	[tilespmem:s0+$0x10] =	vst v0  }
0x26: {  	[tilespmem:s0+$0x0] =	vst v0  }
0x27: {  	[tilespmem:s0+$0xFFFFFFF0] =	vst v0;
	v0 =	vld [tilespmem:$0x1FF80];
	_ =	sdelay $0x4  }
0x28: {  	[tilespmem:$0x4D70] =	vst v0;
	v0 =	vld [tilespmem:$0x1FF90];
	_ =	sdelay $0x4  }
0x29: {  	[tilespmem:$0x4D80] =	vst v0;
	v0 =	vld [tilespmem:$0x1FFA0];
	_ =	sdelay $0x4  }
0x2a: {  	[tilespmem:$0x4D90] =	vst v0;
	v0 =	vld [tilespmem:$0x1FFB0];
	_ =	sdelay $0x4  }
0x2b: {  	[tilespmem:$0x4DA0] =	vst v0;
	v0 =	vld [tilespmem:$0x1FFC0];
	_ =	sdelay $0x4  }
0x2c: {  	[tilespmem:$0x4DB0] =	vst v0;
	v0 =	vld [tilespmem:$0x1FFD0];
	_ =	sdelay $0x4  }
0x2d: {  	[tilespmem:$0x4DC0] =	vst v0;
	v0 =	vld [tilespmem:$0x1FFE0];
	_ =	sdelay $0x4  }
0x2e: {  	[tilespmem:$0x4DD0] =	vst v0;
	v0 =	vld [tilespmem:$0x1FFF0];
	_ =	sdelay $0x3  }
0x2f: {  	[tilespmem:$0x4D60] =	vst v25  }
0x30: {  	s0 =	simm.s32 @!p0 $0x4400;
	[tilespmem:$0x4DE0] =	vst v0  }
0x31: {  	[spmem:s1] =	stream.linear.scatter @!p0 [tilespmem:s0], [sflag:$0x2], $0x900, $0x38;
	[tilespmem:$0x4E90] =	vst v63  }
0x32: {  	s0 =	simm.s32 @!p0 $0x2  }
0x33: {  	_ =	swait.ge @!p0 [sflag:s0], $0x900  }
0x34: {  	[sflag:s0] =	ssyncset.done @!p0 $0x0  }
0x35: {  	[sflag:s0] =	ssyncadd.s32 @!p0 $0xFFFFF700  }
0x36: {  	[bflag:$0x0] =	sbarrier.arrive $0xFFFF  }
0x37: {  	_ =	swait.ge [sflag:s15], $0x4000  }
0x38: {  	[sflag:s15] =	ssyncset.done $0x0  }
0x39: {  	[sflag:s15] =	ssyncadd.s32 $0xFFFFC000  }
0x3a: {  	_ =	swait.ge [sflag:s15], $0x400  }
0x3b: {  	[sflag:s15] =	ssyncset.done $0x0  }
0x3c: {  	[sflag:s15] =	ssyncadd.s32 $0xFFFFFC00  }
0x3d: {  	_ =	swait.ge [sflag:s15], $0x20  }
0x3e: {  	[sflag:s15] =	ssyncset.done $0x0  }
0x3f: {  	[sflag:s15] =	ssyncadd.s32 $0xFFFFFFE0  }
0x40: {  	_ =	swait.ge [sflag:s15], $0x20  }
0x41: {  	[sflag:s15] =	ssyncset.done $0x0  }
0x42: {  	[sflag:s15] =	ssyncadd.s32 $0xFFFFFFE0  }
0x43: {  	_ =	swait.ge [sflag:s15], $0x20  }
0x44: {  	s25 =	simm.s32 $0x0;
	[sflag:s15] =	ssyncset.done $0x0  }
0x45: {  	s0 =	sand.u32 $0x60, s25;
	[sflag:s15] =	ssyncadd.s32 $0xFFFFFFE0  }
0x46: {  	s26 =	simm.s32 $0x4000;
	s28 =	sand.u32 $0x380, s25;
	s29 =	sor.u32 $0x10, s0;
	v1 =	vld [tilespmem:s25+$0x0]  }
0x47: {  	s3 =	sor.u32 $0x400, s28;
	s17 =	sor.u32 s28, s29;
	v0 =	vld [tilespmem:s26+$0x0]  }
0x48: {  	s4 =	sor.u32 $0x800, s28;
	s5 =	sor.u32 s29, s3;
	v2 =	vld [tilespmem:s17+$0x0]  }
0x49: {  	s10 =	sor.u32 $0xC00, s28;
	s11 =	sor.u32 s29, s4;
	v3 =	vld [tilespmem:s5+$0x0]  }
0x4a: {  	s12 =	sor.u32 s29, s10;
	v4 =	vld [tilespmem:s11+$0x0]  }
0x4b: {  	v5 =	vld [tilespmem:s12+$0x0]  }
0x4c: {  	s7 =	sor.u32 s0, s10;
	s5 =	sor.u32 $0x1000, s28;
	v9 =	vld [tilespmem:s17+$0x4000]  }
0x4d: {  	s11 =	sor.u32 $0x1400, s28;
	v42 =	vld [tilespmem:s7+$0x0];
	s13 =	sor.u32 s29, s5  }
0x4e: {  	s12 =	sor.u32 $0x1800, s28;
	s30 =	sor.u32 s29, s11;
	v6 =	vld [tilespmem:s13+$0x0]  }
0x4f: {  	s17 =	sor.u32 $0x2400, s28;
	s14 =	sor.u32 s29, s12;
	v7 =	vld [tilespmem:s30+$0x0]  }
0x50: {  	s20 =	sor.u32 s29, s17;
	v8 =	vld [tilespmem:s14+$0x0]  }
0x51: {  	s10 =	sor.u32 s0, s5;
	v12 =	vld [tilespmem:s20+$0x0]  }
0x52: {  	s11 =	sor.u32 s0, s11;
	v43 =	vld [tilespmem:s10+$0x0]  }
0x53: {  	s12 =	sor.u32 s0, s12;
	v44 =	vld [tilespmem:s11+$0x0]  }
0x54: {  	s17 =	sor.u32 s0, s17;
	s13 =	sor.u32 $0x1C00, s28;
	v45 =	vld [tilespmem:s12+$0x0]  }
0x55: {  	s14 =	sor.u32 $0x2000, s28;
	v48 =	vld [tilespmem:s17+$0x0];
	s18 =	sor.u32 s29, s13  }
0x56: {  	s20 =	sor.u32 $0x3000, s28;
	s19 =	sor.u32 s29, s14;
	v10 =	vld [tilespmem:s18+$0x0]  }
0x57: {  	s30 =	sor.u32 s29, s20;
	v11 =	vld [tilespmem:s19+$0x0]  }
0x58: {  	s13 =	sor.u32 s0, s13;
	v16 =	vld [tilespmem:s30+$0x0]  }
0x59: {  	s14 =	sor.u32 s0, s14;
	v46 =	vld [tilespmem:s13+$0x0]  }
0x5a: {  	s20 =	sor.u32 s0, s20;
	s18 =	sor.u32 $0x2800, s28;
	v47 =	vld [tilespmem:s14+$0x0]  }
0x5b: {  	s19 =	sor.u32 $0x2C00, s28;
	v52 =	vld [tilespmem:s20+$0x0];
	s21 =	sor.u32 s29, s18  }
0x5c: {  	s23 =	sor.u32 s29, s19;
	v13 =	vld [tilespmem:s21+$0x0]  }
0x5d: {  	s18 =	sor.u32 s0, s18;
	v14 =	vld [tilespmem:s23+$0x0]  }
0x5e: {  	s19 =	sor.u32 s0, s19;
	s21 =	sor.u32 $0x3400, s28;
	v49 =	vld [tilespmem:s18+$0x0]  }
0x5f: {  	v15 =	vshll.u32 v9, $0x4;
	s23 =	sor.u32 $0x3800, s28;
	v50 =	vld [tilespmem:s19+$0x0];
	s31 =	sor.u32 s29, s21  }
0x60: {  	v17 =	vor.u32 $0x1, v15;
	s28 =	sor.u32 $0x3C00, s28;
	s6 =	sor.u32 s29, s23;
	v18 =	vld [tilespmem:s31+$0x0]  }
0x61: {  	v19 =	vor.u32 $0x2, v15;
	s29 =	sor.u32 s29, s28;
	v20 =	vld [tilespmem:s6+$0x0]  }
0x62: {  	v21 =	vor.u32 $0x3, v15;
	s30 =	sor.u32 s0, s21;
	v22 =	vld [tilespmem:s29+$0x0]  }
0x63: {  	v23 =	vor.u32 $0x4, v15;
	v54 =	vld [tilespmem:s30+$0x0]  }
0x64: {  	[tilespmem:v15+s16+$0x0] =	vst.idx.add.f32.msk $0xffff, v2;
	v2 =	vor.u32 $0x5, v15  }
0x65: {  	[tilespmem:v17+s16+$0x0] =	vst.idx.add.f32.msk $0xffff, v3;
	v3 =	vor.u32 $0x6, v15  }
0x66: {  	v36 =	vor.u32 $0x7, v15;
	[tilespmem:v19+s16+$0x0] =	vst.idx.add.f32.msk $0xffff, v4  }
0x67: {  	v37 =	vor.u32 $0x8, v15;
	[tilespmem:v21+s16+$0x0] =	vst.idx.add.f32.msk $0xffff, v5  }
0x68: {  	v38 =	vor.u32 $0x9, v15;
	[tilespmem:v23+s16+$0x0] =	vst.idx.add.f32.msk $0xffff, v6  }
0x69: {  	[tilespmem:v2+s16+$0x0] =	vst.idx.add.f32.msk $0xffff, v7;
	v2 =	vor.u32 $0xA, v15  }
0x6a: {  	[tilespmem:v3+s16+$0x0] =	vst.idx.add.f32.msk $0xffff, v8;
	v3 =	vor.u32 $0xB, v15  }
0x6b: {  	v39 =	vor.u32 $0xC, v15;
	[tilespmem:v36+s16+$0x0] =	vst.idx.add.f32.msk $0xffff, v10  }
0x6c: {  	v40 =	vor.u32 $0xD, v15;
	[tilespmem:v37+s16+$0x0] =	vst.idx.add.f32.msk $0xffff, v11  }
0x6d: {  	v41 =	vor.u32 $0xE, v15;
	[tilespmem:v38+s16+$0x0] =	vst.idx.add.f32.msk $0xffff, v12  }
0x6e: {  	[tilespmem:v2+s16+$0x0] =	vst.idx.add.f32.msk $0xffff, v13;
	v2 =	vor.u32 $0xF, v15  }
0x6f: {  	[tilespmem:v3+s16+$0x0] =	vst.idx.add.f32.msk $0xffff, v14  }
0x70: {  	v3 =	vadd.s32 $0x800, v9;
	[tilespmem:v39+s16+$0x0] =	vst.idx.add.f32.msk $0xffff, v16  }
0x71: {  	[tilespmem:v40+s16+$0x0] =	vst.idx.add.f32.msk $0xffff, v18  }
0x72: {  	[tilespmem:v41+s16+$0x0] =	vst.idx.add.f32.msk $0xffff, v20  }
0x73: {  	s3 =	sor.u32 s0, s3;
	[tilespmem:v2+s16+$0x0] =	vst.idx.add.f32.msk $0xffff, v22  }
0x74: {  	v51 =	vshll.u32 v0, $0x4;
	v2 =	vld [tilespmem:s3+$0x0]  }
0x75: {  	s4 =	sor.u32 s0, s4;
	v53 =	vor.u32 $0x1, v51;
	[tilespmem:v3+s16+$0x0] =	vst.idx.add.f32.msk $0xffff, v24  }
0x76: {  	v55 =	vor.u32 $0x2, v51;
	s31 =	sor.u32 s0, s23;
	v3 =	vld [tilespmem:s4+$0x0]  }
0x77: {  	v57 =	vor.u32 $0x3, v51;
	s0 =	sor.u32 s0, s28;
	v56 =	vld [tilespmem:s31+$0x0]  }
0x78: {  	v59 =	vor.u32 $0x4, v51;
	v58 =	vld [tilespmem:s0+$0x0]  }
0x79: {  	[tilespmem:v51+s16+$0x0] =	vst.idx.add.f32.msk $0xffff, v1;
	v1 =	vor.u32 $0x5, v51  }
0x7a: {  	[tilespmem:v53+s16+$0x0] =	vst.idx.add.f32.msk $0xffff, v2;
	v2 =	vor.u32 $0x6, v51  }
0x7b: {  	[tilespmem:v55+s16+$0x0] =	vst.idx.add.f32.msk $0xffff, v3;
	v3 =	vor.u32 $0x7, v51  }
0x7c: {  	v60 =	vor.u32 $0x8, v51;
	[tilespmem:v57+s16+$0x0] =	vst.idx.add.f32.msk $0xffff, v42  }
0x7d: {  	v61 =	vor.u32 $0x9, v51;
	[tilespmem:v59+s16+$0x0] =	vst.idx.add.f32.msk $0xffff, v43  }
0x7e: {  	[tilespmem:v1+s16+$0x0] =	vst.idx.add.f32.msk $0xffff, v44;
	v1 =	vor.u32 $0xA, v51  }
0x7f: {  	[tilespmem:v2+s16+$0x0] =	vst.idx.add.f32.msk $0xffff, v45;
	v2 =	vor.u32 $0xB, v51  }
0x80: {  	[tilespmem:v3+s16+$0x0] =	vst.idx.add.f32.msk $0xffff, v46;
	v3 =	vor.u32 $0xC, v51  }
0x81: {  	v62 =	vor.u32 $0xD, v51;
	[tilespmem:v60+s16+$0x0] =	vst.idx.add.f32.msk $0xffff, v47  }
0x82: {  	v63 =	vor.u32 $0xE, v51;
	[tilespmem:v61+s16+$0x0] =	vst.idx.add.f32.msk $0xffff, v48  }
0x83: {  	[tilespmem:v1+s16+$0x0] =	vst.idx.add.f32.msk $0xffff, v49;
	v1 =	vor.u32 $0xF, v51  }
0x84: {  	v0 =	vadd.s32 $0x800, v0;
	[tilespmem:v2+s16+$0x0] =	vst.idx.add.f32.msk $0xffff, v50  }
0x85: {  	[tilespmem:v3+s16+$0x0] =	vst.idx.add.f32.msk $0xffff, v52  }
0x86: {  	[tilespmem:v62+s16+$0x0] =	vst.idx.add.f32.msk $0xffff, v54  }
0x87: {  	[tilespmem:v63+s16+$0x0] =	vst.idx.add.f32.msk $0xffff, v56  }
0x88: {  	s28 =	simm.s32 $0x0;
	s29 =	simm.s32 $0x20;
	[tilespmem:v1+s16+$0x0] =	vst.idx.add.f32.msk $0xffff, v58  }
.LBB2_4:
0x89: {  	s3 =	sand.u32 $0x60, s29;
	[tilespmem:v0+s16+$0x0] =	vst.idx.add.f32.msk $0xffff, v24;
	s25 =	sadd.s32 $0x20, s25  }
0x8a: {  	s5 =	sand.u32 $0x380, s29;
	s26 =	sadd.s32 $0x20, s26;
	v2 =	vld [tilespmem:s25+$0x0];
	s4 =	sor.u32 $0x10, s3  }
0x8b: {  	s10 =	sor.u32 $0x400, s5;
	v1 =	vld [tilespmem:s26+$0x0];
	s11 =	sor.u32 s5, s4  }
0x8c: {  	s12 =	sor.u32 $0x800, s5;
	s0 =	sor.u32 s3, s10;
	s13 =	sor.u32 s4, s10;
	v0 =	vld [tilespmem:s11+$0x0]  }
0x8d: {  	s14 =	sor.u32 $0xC00, s5;
	s10 =	sor.u32 s3, s12;
	s12 =	sor.u32 s4, s12;
	v3 =	vld [tilespmem:s13+$0x0]  }
0x8e: {  	s30 =	sor.u32 s3, s14;
	s13 =	sor.u32 $0x1000, s5;
	v4 =	vld [tilespmem:s12+$0x0];
	s12 =	sor.u32 s4, s14  }
0x8f: {  	s31 =	sor.u32 s3, s13;
	s14 =	sor.u32 $0x1400, s5;
	s13 =	sor.u32 s4, s13;
	v5 =	vld [tilespmem:s12+$0x0]  }
0x90: {  	s17 =	sor.u32 $0x1800, s5;
	s12 =	sor.u32 s3, s14;
	s14 =	sor.u32 s4, s14;
	v6 =	vld [tilespmem:s13+$0x0]  }
0x91: {  	s13 =	sor.u32 s3, s17;
	v7 =	vld [tilespmem:s14+$0x0];
	s14 =	sor.u32 s4, s17  }
0x92: {  	s17 =	sor.u32 $0x1C00, s5;
	v8 =	vld [tilespmem:s14+$0x0]  }
0x93: {  	s18 =	sor.u32 $0x2000, s5;
	s14 =	sor.u32 s3, s17;
	v9 =	vld [tilespmem:s11+$0x4000];
	s11 =	sor.u32 s4, s17  }
0x94: {  	s19 =	sor.u32 $0x2400, s5;
	s17 =	sor.u32 s3, s18;
	v10 =	vld [tilespmem:s11+$0x0];
	s11 =	sor.u32 s4, s18  }
0x95: {  	s20 =	sor.u32 $0x2800, s5;
	s18 =	sor.u32 s3, s19;
	v11 =	vld [tilespmem:s11+$0x0];
	s11 =	sor.u32 s4, s19  }
0x96: {  	s21 =	sor.u32 $0x2C00, s5;
	s19 =	sor.u32 s3, s20;
	v12 =	vld [tilespmem:s11+$0x0];
	s11 =	sor.u32 s4, s20  }
0x97: {  	s23 =	sor.u32 $0x3000, s5;
	s20 =	sor.u32 s3, s21;
	v13 =	vld [tilespmem:s11+$0x0];
	s11 =	sor.u32 s4, s21  }
0x98: {  	s6 =	sor.u32 $0x3400, s5;
	s21 =	sor.u32 s3, s23;
	v14 =	vld [tilespmem:s11+$0x0];
	s11 =	sor.u32 s4, s23;
	v15 =	vshll.u32 v9, $0x4  }
0x99: {  	s7 =	sor.u32 $0x3800, s5;
	s23 =	sor.u32 s3, s6;
	s6 =	sor.u32 s4, s6;
	v16 =	vld [tilespmem:s11+$0x0];
	v17 =	vor.u32 $0x1, v15  }
0x9a: {  	s5 =	sor.u32 $0x3C00, s5;
	s11 =	sor.u32 s3, s7;
	v19 =	vor.u32 $0x2, v15;
	v18 =	vld [tilespmem:s6+$0x0];
	s6 =	sor.u32 s4, s7  }
0x9b: {  	s3 =	sor.u32 s3, s5;
	v21 =	vor.u32 $0x3, v15;
	s4 =	sor.u32 s4, s5;
	v20 =	vld [tilespmem:s6+$0x0]  }
0x9c: {  	v23 =	vor.u32 $0x4, v15;
	v22 =	vld [tilespmem:s4+$0x0]  }
0x9d: {  	[tilespmem:v15+s16+$0x0] =	vst.idx.add.f32.msk $0xffff, v0;
	v0 =	vor.u32 $0x5, v15  }
0x9e: {  	[tilespmem:v17+s16+$0x0] =	vst.idx.add.f32.msk $0xffff, v3;
	v3 =	vor.u32 $0x6, v15  }
0x9f: {  	s28 =	sadd.s32 $0x2, s28;
	[tilespmem:v19+s16+$0x0] =	vst.idx.add.f32.msk $0xffff, v4;
	v4 =	vor.u32 $0x7, v15  }
0xa0: {  	p1 =	slt.u32 s28, $0x3E;
	[tilespmem:v21+s16+$0x0] =	vst.idx.add.f32.msk $0xffff, v5;
	v5 =	vor.u32 $0x8, v15  }
0xa1: {  	[tilespmem:v23+s16+$0x0] =	vst.idx.add.f32.msk $0xffff, v6;
	v6 =	vor.u32 $0x9, v15  }
0xa2: {  	[tilespmem:v0+s16+$0x0] =	vst.idx.add.f32.msk $0xffff, v7;
	v0 =	vor.u32 $0xA, v15  }
0xa3: {  	[tilespmem:v3+s16+$0x0] =	vst.idx.add.f32.msk $0xffff, v8;
	v3 =	vor.u32 $0xB, v15  }
0xa4: {  	[tilespmem:v4+s16+$0x0] =	vst.idx.add.f32.msk $0xffff, v10;
	v4 =	vor.u32 $0xC, v15  }
0xa5: {  	[tilespmem:v5+s16+$0x0] =	vst.idx.add.f32.msk $0xffff, v11;
	v5 =	vor.u32 $0xD, v15  }
0xa6: {  	[tilespmem:v6+s16+$0x0] =	vst.idx.add.f32.msk $0xffff, v12;
	v6 =	vor.u32 $0xE, v15  }
0xa7: {  	[tilespmem:v0+s16+$0x0] =	vst.idx.add.f32.msk $0xffff, v13;
	v0 =	vor.u32 $0xF, v15  }
0xa8: {  	[tilespmem:v3+s16+$0x0] =	vst.idx.add.f32.msk $0xffff, v14;
	v3 =	vadd.s32 $0x800, v9  }
0xa9: {  	[tilespmem:v4+s16+$0x0] =	vst.idx.add.f32.msk $0xffff, v16  }
0xaa: {  	[tilespmem:v5+s16+$0x0] =	vst.idx.add.f32.msk $0xffff, v18  }
0xab: {  	[tilespmem:v6+s16+$0x0] =	vst.idx.add.f32.msk $0xffff, v20  }
0xac: {  	[tilespmem:v0+s16+$0x0] =	vst.idx.add.f32.msk $0xffff, v22  }
0xad: {  	[tilespmem:v3+s16+$0x0] =	vst.idx.add.f32.msk $0xffff, v24  }
0xae: {  	v0 =	vld [tilespmem:s0+$0x0]  }
0xaf: {  	v3 =	vld [tilespmem:s10+$0x0]  }
0xb0: {  	v4 =	vld [tilespmem:s30+$0x0]  }
0xb1: {  	v5 =	vld [tilespmem:s31+$0x0]  }
0xb2: {  	v6 =	vld [tilespmem:s12+$0x0]  }
0xb3: {  	v7 =	vld [tilespmem:s13+$0x0]  }
0xb4: {  	v8 =	vld [tilespmem:s14+$0x0]  }
0xb5: {  	v9 =	vld [tilespmem:s17+$0x0]  }
0xb6: {  	v10 =	vld [tilespmem:s18+$0x0]  }
0xb7: {  	v11 =	vld [tilespmem:s19+$0x0]  }
0xb8: {  	v13 =	vshll.u32 v1, $0x4;
	v12 =	vld [tilespmem:s20+$0x0]  }
0xb9: {  	v15 =	vor.u32 $0x1, v13;
	v14 =	vld [tilespmem:s21+$0x0]  }
0xba: {  	v17 =	vor.u32 $0x2, v13;
	v16 =	vld [tilespmem:s23+$0x0]  }
0xbb: {  	v19 =	vor.u32 $0x3, v13;
	v18 =	vld [tilespmem:s11+$0x0]  }
0xbc: {  	v21 =	vor.u32 $0x4, v13;
	v20 =	vld [tilespmem:s3+$0x0]  }
0xbd: {  	[tilespmem:v13+s16+$0x0] =	vst.idx.add.f32.msk $0xffff, v2;
	v2 =	vor.u32 $0x5, v13  }
0xbe: {  	[tilespmem:v15+s16+$0x0] =	vst.idx.add.f32.msk $0xffff, v0;
	v0 =	vor.u32 $0x6, v13  }
0xbf: {  	[tilespmem:v17+s16+$0x0] =	vst.idx.add.f32.msk $0xffff, v3;
	v3 =	vor.u32 $0x7, v13  }
0xc0: {  	[tilespmem:v19+s16+$0x0] =	vst.idx.add.f32.msk $0xffff, v4;
	v4 =	vor.u32 $0x8, v13  }
0xc1: {  	[tilespmem:v21+s16+$0x0] =	vst.idx.add.f32.msk $0xffff, v5;
	v5 =	vor.u32 $0x9, v13  }
0xc2: {  	[tilespmem:v2+s16+$0x0] =	vst.idx.add.f32.msk $0xffff, v6;
	v2 =	vor.u32 $0xA, v13  }
0xc3: {  	[tilespmem:v0+s16+$0x0] =	vst.idx.add.f32.msk $0xffff, v7;
	v0 =	vor.u32 $0xB, v13  }
0xc4: {  	[tilespmem:v3+s16+$0x0] =	vst.idx.add.f32.msk $0xffff, v8;
	v3 =	vor.u32 $0xC, v13  }
0xc5: {  	[tilespmem:v4+s16+$0x0] =	vst.idx.add.f32.msk $0xffff, v9;
	v4 =	vor.u32 $0xD, v13  }
0xc6: {  	[tilespmem:v5+s16+$0x0] =	vst.idx.add.f32.msk $0xffff, v10;
	v5 =	vor.u32 $0xE, v13  }
0xc7: {  	[tilespmem:v2+s16+$0x0] =	vst.idx.add.f32.msk $0xffff, v11;
	v2 =	vor.u32 $0xF, v13  }
.Ltmp1:
0xc8: {  	[tilespmem:v0+s16+$0x0] =	vst.idx.add.f32.msk $0xffff, v12;
	v0 =	vadd.s32 $0x800, v1;
	(pc) =	sbr.rel @p1 .LBB2_4-.Ltmp1, $4  }
0xc9: {  	[tilespmem:v3+s16+$0x0] =	vst.idx.add.f32.msk $0xffff, v14  }
0xca: {  	[tilespmem:v4+s16+$0x0] =	vst.idx.add.f32.msk $0xffff, v16  }
0xcb: {  	[tilespmem:v5+s16+$0x0] =	vst.idx.add.f32.msk $0xffff, v18  }
0xcc: {  	s29 =	sadd.s32 $0x20, s29;
	[tilespmem:v2+s16+$0x0] =	vst.idx.add.f32.msk $0xffff, v20  }
0xcd: {  	_ =	sdelay $0x3  }
0xce: {  	[tilespmem:v0+s16+$0x0] =	vst.idx.add.f32.msk $0xffff, v24;
	s0 =	simm.s32 $0x80;
	s3 =	simm.s32 $0x4D60  }
0xcf: {  	[spmem:s1] =	stream.indirect.scatter.add.f32 [tilespmem:s16], [sflag:$0x1], $0x10, s3, s0, $0xb8;
	[tilespmem:$0x4E90] =	vst v63  }
0xd0: {  	s26 =	simm.s32 $0x10;
	s29 =	simm.s32 $0x4DE0;
	s4 =	simm.s32 $0x4C00  }
0xd1: {  	[spmem:s1] =	stream.indirect.scatter.add.f32 [tilespmem:s4], [sflag:$0x1], $0x10, s29, s26, $0xb8;
	[tilespmem:$0x4E90] =	vst v63  }
0xd2: {  	_ =	swait.ge [sflag:s15], $0x800  }
0xd3: {  	[sflag:s15] =	ssyncset.done $0x0  }
0xd4: {  	[sflag:s15] =	ssyncadd.s32 $0xFFFFF800  }
0xd5: {  	_ =	swait.ge [sflag:s15], $0x100  }
0xd6: {  	s25 =	simm.s32 $0x0;
	[sflag:s15] =	ssyncset.done $0x0  }
0xd7: {  	v15 =	vor.u32 s25, v25;
	[sflag:s15] =	ssyncadd.s32 $0xFFFFFF00  }
0xd8: {  	v38 =	vshll.u32 v15, $0x4;
	[bflag:$0x0] =	sbarrier.arrive $0xFFFF  }
0xd9: {  	v39 =	vor.u32 $0x1, v38;
	[tilespmem:s16], [sflag:$0x2] =	stream.linear.gather [spmem:s1], $0x900, $0x38;
	[tilespmem:$0x4E90] =	vst v63  }
0xda: {  	v37 =	vor.u32 $0x2, v38;
	_ =	swait.ge [sflag:s22], $0x900  }
0xdb: {  	v11 =	vor.u32 $0x3, v38;
	[sflag:s22] =	ssyncset.done $0x0  }
0xdc: {  	v36 =	vor.u32 $0x4, v38;
	[sflag:s22] =	ssyncadd.s32 $0xFFFFF700  }
0xdd: {  	v35 =	vor.u32 $0x5, v38;
	v60 =	vld.idx.msk [tilespmem:v38+s16+$0x0], $0xffff  }
0xde: {  	v34 =	vor.u32 $0x6, v38;
	v63 =	vld.idx.msk [tilespmem:v39+s16+$0x0], $0xffff  }
0xdf: {  	v0 =	vor.u32 $0x7, v38;
	v55 =	vld.idx.msk [tilespmem:v37+s16+$0x0], $0xffff  }
0xe0: {  	v10 =	vor.u32 $0x8, v38;
	v59 =	vld.idx.msk [tilespmem:v11+s16+$0x0], $0xffff  }
0xe1: {  	v9 =	vor.u32 $0x9, v38;
	v29 =	vld.idx.msk [tilespmem:v36+s16+$0x0], $0xffff  }
0xe2: {  	v6 =	vor.u32 $0xA, v38;
	v51 =	vld.idx.msk [tilespmem:v35+s16+$0x0], $0xffff  }
0xe3: {  	v5 =	vor.u32 $0xB, v38;
	v50 =	vld.idx.msk [tilespmem:v34+s16+$0x0], $0xffff  }
0xe4: {  	v4 =	vor.u32 $0xC, v38;
	v31 =	vld.idx.msk [tilespmem:v0+s16+$0x0], $0xffff  }
0xe5: {  	v2 =	vor.u32 $0xD, v38;
	v48 =	vld.idx.msk [tilespmem:v10+s16+$0x0], $0xffff  }
0xe6: {  	v3 =	vor.u32 $0xE, v38;
	v47 =	vld.idx.msk [tilespmem:v9+s16+$0x0], $0xffff  }
0xe7: {  	v1 =	vor.u32 $0xF, v38;
	v46 =	vld.idx.msk [tilespmem:v6+s16+$0x0], $0xffff  }
0xe8: {  	v44 =	vld.idx.msk [tilespmem:v5+s16+$0x0], $0xffff  }
0xe9: {  	v40 =	vld.idx.msk [tilespmem:v4+s16+$0x0], $0xffff;
	v7 =	vmul.f32 v60, v60;
	v8 =	vmul.f32 v63, v63  }
0xea: {  	v12 =	vld.idx.msk [tilespmem:v2+s16+$0x0], $0xffff;
	v14 =	vmul.f32 v55, v55;
	v16 =	vmul.f32 v59, v59  }
0xeb: {  	v13 =	vld.idx.msk [tilespmem:v3+s16+$0x0], $0xffff;
	v17 =	vmul.f32 v29, v29;
	v18 =	vmul.f32 v51, v51  }
0xec: {  	v42 =	vld.idx.msk [tilespmem:v1+s16+$0x0], $0xffff;
	v19 =	vmul.f32 v50, v50;
	v20 =	vmul.f32 v31, v31  }
0xed: {  	v21 =	vmul.f32 v48, v48;
	v22 =	vmul.f32 v47, v47  }
0xee: {  	v23 =	vmul.f32 v46, v46;
	v24 =	vmul.f32 v44, v44  }
0xef: {  	v25 =	vmul.f32 v40, v40;
	v26 =	vmul.f32 v12, v12  }
0xf0: {  	v27 =	vmul.f32 v13, v13;
	v7 =	vadd.f32 v8, v7;
	v8 =	vadd.f32 v16, v14  }
0xf1: {  	v14 =	vmul.f32 v42, v42;
	v16 =	vadd.f32 v18, v17;
	v17 =	vadd.f32 v20, v19  }
0xf2: {  	v18 =	vadd.f32 v22, v21;
	v19 =	vadd.f32 v24, v23  }
0xf3: {  	v20 =	vadd.f32 v26, v25;
	v14 =	vadd.f32 v14, v27  }
0xf4: {  	v7 =	vadd.f32 v8, v7;
	v8 =	vadd.f32 v17, v16  }
0xf5: {  	v16 =	vadd.f32 v19, v18;
	v14 =	vadd.f32 v14, v20;
	_ =	sdelay $0x1  }
0xf6: {  	v7 =	vadd.f32 v8, v7;
	v8 =	vadd.f32 v14, v16;
	_ =	sdelay $0x1  }
0xf7: {  	v7 =	vadd.f32 v8, v7  }
0xf8: {  	v54 =	vlaneseq.u32;
	s30 =	simm.s32 $0x10  }
0xf9: {  	v16 =	vor.u32 s30, v54;
	v7 =	vmax.f32 v7, $9.999999680e-21  }
0xfa: {  	v43 =	vshll.u32 v16, $0x4;
	v8 =	vshra.s32 v7, $0x1;
	v14 =	vmul.f32 $5.000000000e-01, v7  }
0xfb: {  	v41 =	vor.u32 $0x1, v43;
	v7 =	vsub.s32 $0x5F3759DF, v8  }
0xfc: {  	v17 =	vor.u32 $0x2, v43;
	v8 =	vmul.f32 v7, v14  }
0xfd: {  	v45 =	vor.u32 $0x3, v43  }
0xfe: {  	[tilespmem:$0x1FE40] =	vst v16;
	v18 =	vor.u32 $0x4, v43;
	v8 =	vmul.f32 v7, v8  }
0xff: {  	v16 =	vor.u32 $0x5, v43;
	v20 =	vld.idx.msk [tilespmem:v43+s16+$0x0], $0xffff  }
0x100: {  	v19 =	vor.u32 $0x6, v43;
	v21 =	vld.idx.msk [tilespmem:v41+s16+$0x0], $0xffff;
	[tilespmem:$0x1FE50] =	vst v17;
	v8 =	vsub.f32 $1.500000000e+00, v8  }
0x101: {  	v33 =	vor.u32 $0x7, v43;
	v24 =	vld.idx.msk [tilespmem:v17+s16+$0x0], $0xffff  }
0x102: {  	v22 =	vor.u32 $0x8, v43;
	v26 =	vld.idx.msk [tilespmem:v45+s16+$0x0], $0xffff;
	[tilespmem:$0x1FE60] =	vst v18;
	v8 =	vmul.f32 v7, v8  }
0x103: {  	v27 =	vld.idx.msk [tilespmem:v18+s16+$0x0], $0xffff;
	v18 =	vor.u32 $0x9, v43;
	[tilespmem:$0x1FE70] =	vst v16  }
0x104: {  	v23 =	vor.u32 $0xA, v43;
	v49 =	vld.idx.msk [tilespmem:v16+s16+$0x0], $0xffff;
	[tilespmem:$0x1FE80] =	vst v19;
	v7 =	vmul.f32 v8, v14  }
0x105: {  	v17 =	vor.u32 $0xB, v43;
	v52 =	vld.idx.msk [tilespmem:v19+s16+$0x0], $0xffff  }
0x106: {  	v58 =	vld.idx.msk [tilespmem:v33+s16+$0x0], $0xffff;
	v19 =	vor.u32 $0xC, v43;
	[tilespmem:$0x1FE90] =	vst v22;
	v7 =	vmul.f32 v7, v8  }
0x107: {  	v57 =	vld.idx.msk [tilespmem:v22+s16+$0x0], $0xffff;
	[tilespmem:$0x1FEA0] =	vst v18  }
0x108: {  	v61 =	vld.idx.msk [tilespmem:v18+s16+$0x0], $0xffff;
	[tilespmem:$0x1FEB0] =	vst v23;
	v16 =	vsub.f32 $1.500000000e+00, v7  }
0x109: {  	v22 =	vor.u32 $0xD, v43;
	v7 =	vld.idx.msk [tilespmem:v23+s16+$0x0], $0xffff;
	[tilespmem:$0x1FEC0] =	vst v17  }
0x10a: {  	v16 =	vmul.f32 v16, v8;
	v8 =	vld.idx.msk [tilespmem:v17+s16+$0x0], $0xffff;
	[tilespmem:$0x1FED0] =	vst v19  }
0x10b: {  	v32 =	vld.idx.msk [tilespmem:v19+s16+$0x0], $0xffff;
	[tilespmem:$0x1FEE0] =	vst v20  }
0x10c: {  	v25 =	vor.u32 $0xE, v43;
	[tilespmem:$0x1FEF0] =	vst v21  }
0x10d: {  	v53 =	vor.u32 $0xF, v43;
	[tilespmem:$0x1FF00] =	vst v22  }
0x10e: {  	v56 =	vld.idx.msk [tilespmem:v22+s16+$0x0], $0xffff;
	[tilespmem:$0x1FF10] =	vst v24  }
0x10f: {  	v18 =	vmul.f32 v21, v21;
	[tilespmem:$0x1FF20] =	vst v26  }
0x110: {  	v23 =	vmul.f32 v49, v49;
	v17 =	vmul.f32 v20, v20;
	[tilespmem:$0x1FF30] =	vst v25  }
0x111: {  	v19 =	vmul.f32 v24, v24;
	v20 =	vmul.f32 v26, v26;
	v30 =	vld.idx.msk [tilespmem:v25+s16+$0x0], $0xffff;
	[tilespmem:$0x1FF40] =	vst v27  }
0x112: {  	v21 =	vmul.f32 v27, v27;
	v14 =	vmul.f32 v16, v14;
	v28 =	vld.idx.msk [tilespmem:v53+s16+$0x0], $0xffff  }
0x113: {  	v17 =	vadd.f32 v18, v17;
	v18 =	vmul.f32 v52, v52;
	v24 =	vmul.f32 v58, v58  }
0x114: {  	v19 =	vadd.f32 v20, v19;
	v20 =	vmul.f32 v57, v57;
	v25 =	vmul.f32 v61, v61  }
0x115: {  	v21 =	vadd.f32 v23, v21;
	v23 =	vmul.f32 v7, v7;
	v26 =	vmul.f32 v8, v8  }
0x116: {  	v18 =	vadd.f32 v24, v18;
	v24 =	vmul.f32 v32, v32;
	v27 =	vmul.f32 v56, v56  }
0x117: {  	v20 =	vadd.f32 v25, v20;
	v25 =	vmul.f32 v30, v30;
	[tilespmem:$0x1FF60] =	vst v28;
	v28 =	vmul.f32 v28, v28  }
0x118: {  	v14 =	vmul.f32 v14, v16;
	v17 =	vadd.f32 v19, v17;
	v23 =	vadd.f32 v26, v23  }
0x119: {  	v24 =	vadd.f32 v27, v24;
	v25 =	vadd.f32 v28, v25  }
0x11a: {  	v18 =	vadd.f32 v18, v21;
	v14 =	vsub.f32 $1.500000000e+00, v14  }
0x11b: {  	v19 =	vadd.f32 v23, v20;
	v20 =	vadd.f32 v25, v24  }
0x11c: {  	v14 =	vmul.f32 v14, v16  }
0x11d: {  	v16 =	vadd.f32 v18, v17;
	v17 =	vadd.f32 v20, v19  }
0x11e: {  	v18 =	vmul.f32 v14, v60  }
0x11f: {  	[tilespmem:$0x1FF50] =	vst v49;
	v16 =	vadd.f32 v17, v16;
	v17 =	vmul.f32 v14, v63  }
0x120: {  	[tilespmem:v38+s16+$0x0] =	vst.idx.msk $0xffff, v18;
	v18 =	vmul.f32 v14, v55  }
0x121: {  	s31 =	simm.s32 $0x20;
	[tilespmem:v39+s16+$0x0] =	vst.idx.msk $0xffff, v17;
	v17 =	vmul.f32 v14, v59  }
0x122: {  	v20 =	vor.u32 s31, v54;
	[tilespmem:v37+s16+$0x0] =	vst.idx.msk $0xffff, v18;
	v18 =	vmul.f32 v14, v29  }
0x123: {  	v38 =	vshll.u32 v20, $0x4;
	[tilespmem:v11+s16+$0x0] =	vst.idx.msk $0xffff, v17  }
0x124: {  	v62 =	vor.u32 $0xB, v38;
	v16 =	vmax.f32 v16, $9.999999680e-21;
	v11 =	vmul.f32 v14, v51;
	[tilespmem:v36+s16+$0x0] =	vst.idx.msk $0xffff, v18  }
0x125: {  	v19 =	vshra.s32 v16, $0x1;
	v16 =	vmul.f32 $5.000000000e-01, v16;
	v18 =	vmul.f32 v14, v50;
	[tilespmem:$0x1FF70] =	vst v20  }
0x126: {  	v37 =	vor.u32 $0x3, v38;
	v17 =	vsub.s32 $0x5F3759DF, v19;
	[tilespmem:v35+s16+$0x0] =	vst.idx.msk $0xffff, v11;
	v11 =	vmul.f32 v14, v31  }
0x127: {  	v19 =	vmul.f32 v17, v16;
	[tilespmem:v34+s16+$0x0] =	vst.idx.msk $0xffff, v18;
	v18 =	vmul.f32 v14, v48  }
0x128: {  	v39 =	vor.u32 $0x1, v38;
	[tilespmem:v0+s16+$0x0] =	vst.idx.msk $0xffff, v11;
	v0 =	vmul.f32 v14, v47  }
0x129: {  	v19 =	vmul.f32 v17, v19;
	v34 =	vor.u32 $0x2, v38;
	[tilespmem:v10+s16+$0x0] =	vst.idx.msk $0xffff, v18;
	v10 =	vmul.f32 v14, v46  }
0x12a: {  	v27 =	vld.idx.msk [tilespmem:v62+s16+$0x0], $0xffff;
	v48 =	vor.u32 $0xA, v38;
	[tilespmem:v9+s16+$0x0] =	vst.idx.msk $0xffff, v0;
	v0 =	vmul.f32 v14, v44  }
0x12b: {  	v36 =	vor.u32 $0x4, v38;
	v63 =	vld.idx.msk [tilespmem:v37+s16+$0x0], $0xffff;
	v11 =	vsub.f32 $1.500000000e+00, v19;
	[tilespmem:v6+s16+$0x0] =	vst.idx.msk $0xffff, v10;
	v6 =	vmul.f32 v14, v40  }
0x12c: {  	v35 =	vor.u32 $0x5, v38;
	v9 =	vld.idx.msk [tilespmem:v38+s16+$0x0], $0xffff;
	[tilespmem:v5+s16+$0x0] =	vst.idx.msk $0xffff, v0;
	v0 =	vmul.f32 v14, v12  }
0x12d: {  	v11 =	vmul.f32 v17, v11;
	v10 =	vld.idx.msk [tilespmem:v39+s16+$0x0], $0xffff;
	[tilespmem:v4+s16+$0x0] =	vst.idx.msk $0xffff, v6;
	v4 =	vmul.f32 v14, v13  }
0x12e: {  	v44 =	vor.u32 $0x8, v38;
	v51 =	vld.idx.msk [tilespmem:v34+s16+$0x0], $0xffff;
	[tilespmem:v2+s16+$0x0] =	vst.idx.msk $0xffff, v0;
	v0 =	vmul.f32 v14, v42  }
0x12f: {  	v40 =	vor.u32 $0x6, v38;
	v59 =	vld.idx.msk [tilespmem:v48+s16+$0x0], $0xffff;
	[tilespmem:v3+s16+$0x0] =	vst.idx.msk $0xffff, v4  }
0x130: {  	s26 =	simm.s32 $0x4C80;
	v46 =	vor.u32 $0x7, v38;
	v5 =	vmul.f32 v11, v16;
	v2 =	vld.idx.msk [tilespmem:v36+s16+$0x0], $0xffff;
	[tilespmem:v1+s16+$0x0] =	vst.idx.msk $0xffff, v0  }
0x131: {  	v47 =	vor.u32 $0x9, v38;
	v0 =	vld [tilespmem:s26+$0xFFFFFF80]  }
0x132: {  	v4 =	vmul.f32 v5, v11;
	v3 =	vld.idx.msk [tilespmem:v35+s16+$0x0], $0xffff  }
0x133: {  	v22 =	vmov v52;
	v52 =	vor.u32 $0xE, v38;
	v50 =	vor.u32 $0xC, v38;
	v6 =	vld.idx.msk [tilespmem:v44+s16+$0x0], $0xffff  }
0x134: {  	v20 =	vmul.f32 v63, v63;
	v5 =	vld.idx.msk [tilespmem:v40+s16+$0x0], $0xffff;
	v17 =	vmul.f32 v10, v10;
	v4 =	vsub.f32 $1.500000000e+00, v4  }
0x135: {  	v54 =	vor.u32 $0xD, v38;
	v1 =	vld.idx.msk [tilespmem:v46+s16+$0x0], $0xffff;
	v18 =	vmul.f32 v51, v51;
	v29 =	vmul.f32 v59, v59  }
0x136: {  	v49 =	vor.u32 $0xF, v38;
	v14 =	vmul.f32 v4, v11;
	v4 =	vld.idx.msk [tilespmem:v47+s16+$0x0], $0xffff;
	(erf) = vrcp.f32 v0  }
0x137: {  	v21 =	vmul.f32 v2, v2;
	v24 =	vmul.f32 v3, v3  }
0x138: {  	v12 =	vld.idx.msk [tilespmem:v50+s16+$0x0], $0xffff;
	v26 =	vmul.f32 v6, v6;
	v11 =	vmul.f32 v14, v16;
	vm0 =	vgt.f32 v0, $0.0e+00  }
0x139: {  	v60 =	vmovc v27;
	v42 =	vmovc v30;
	v16 =	vmul.f32 v9, v9;
	v0 =	vld.idx.msk [tilespmem:v52+s16+$0x0], $0xffff;
	v13 =	vnsel vm0, $0xFFFFFFFF, v15;
	v15 =	vimm.s32 $0xFFFFFFFF  }
0x13a: {  	v23 =	vmul.f32 v5, v5;
	v19 =	vmul.f32 v11, v14;
	v11 =	vld.idx.msk [tilespmem:v54+s16+$0x0], $0xffff;
	vm0 =	vgt.s32 v15, v13  }
0x13b: {  	s28 =	simm.s32 $0x30;
	v25 =	vmul.f32 v1, v1;
	v28 =	vmul.f32 v4, v4;
	v15 =	vsel vm0, v15, v13;
	v13 =	vld.idx.msk [tilespmem:v49+s16+$0x0], $0xffff  }
.LBB2_6:
0x13c: {  	_ = 	snop  }
0x13d: {  	[tilespmem:$0x1FE10] =	vst v50;
	v60 =	vmul.f32 v60, v27;
	v19 =	vsub.f32 $1.500000000e+00, v19;
	v16 =	vadd.f32 v17, v16  }
0x13e: {  	v31 =	vmovc v32;
	v32 =	vmovc v42;
	v50 =	vmov v44;
	v17 =	vadd.f32 v20, v18;
	v24 =	vadd.f32 v24, v21  }
0x13f: {  	[tilespmem:$0x1FE20] =	vst v52;
	v52 =	vld [tilespmem:$0x1FF60];
	v20 =	vadd.f32 v25, v23;
	v14 =	vmul.f32 v19, v14;
	v19 =	vadd.f32 v60, v29;
	v42 =	vpop (erf)  }
0x140: {  	v44 =	vmovc v41;
	v41 =	vmul.f32 v0, v0;
	[tilespmem:s26+$0x0] =	vst v42;
	v42 =	vmov v0;
	v0 =	vadd.f32 v28, v26  }
0x141: {  	v23 =	vmov v9;
	v9 =	vadd.f32 v17, v16  }
0x142: {  	v55 =	vmovc v47;
	v18 =	vmov v10;
	v16 =	vadd.f32 v20, v24;
	v10 =	vadd.f32 v19, v0;
	v0 =	vld [tilespmem:$0x1FF10]  }
0x143: {  	[tilespmem:$0x1FE30] =	vst v49;
	v17 =	vld [tilespmem:$0x1FEF0];
	v30 =	vmul.f32 v12, v12;
	v47 =	vmovc v12;
	v12 =	vmovc v56;
	v56 =	vmov v11;
	v21 =	vmov v13  }
0x144: {  	v49 =	vmovc v48;
	v48 =	vmovc v52;
	v11 =	vmul.f32 v11, v56;
	v52 =	vmov v54;
	v54 =	vmov v53;
	[tilespmem:$0x1FF60] =	vst v21;
	v21 =	vld [tilespmem:$0x1FEE0]  }
0x145: {  	v53 =	vmovc v46;
	v46 =	vmovc v45;
	v45 =	vmov v43;
	v43 =	vmul.f32 v13, v13;
	v9 =	vadd.f32 v16, v9;
	v16 =	vld [tilespmem:$0x1FE50];
	_ =	sdelay $0x1  }
0x146: {  	[tilespmem:$0x1FEF0] =	vst v18;
	v11 =	vadd.f32 v11, v30;
	v13 =	vadd.f32 v43, v41;
	v18 =	vmul.f32 v14, v0;
	v0 =	vld [tilespmem:$0x1FF20];
	_ =	sdelay $0x1  }
0x147: {  	v11 =	vadd.f32 v13, v11;
	v21 =	vmul.f32 v14, v21  }
0x148: {  	v17 =	vmul.f32 v14, v17  }
0x149: {  	[tilespmem:v45+s16+$0x0] =	vst.idx.msk $0xffff, v21;
	v10 =	vadd.f32 v11, v10  }
0x14a: {  	[tilespmem:v44+s16+$0x0] =	vst.idx.msk $0xffff, v17;
	v13 =	vmul.f32 v14, v0  }
0x14b: {  	v9 =	vadd.f32 v10, v9;
	v10 =	vld [tilespmem:$0x1FE70];
	[tilespmem:v16+s16+$0x0] =	vst.idx.msk $0xffff, v18  }
0x14c: {  	[tilespmem:v46+s16+$0x0] =	vst.idx.msk $0xffff, v13;
	v13 =	vld [tilespmem:$0x1FE60]  }
0x14d: {  	v16 =	vld [tilespmem:$0x1FF40]  }
0x14e: {  	v11 =	vld [tilespmem:$0x1FF50];
	_ =	sdelay $0x3  }
0x14f: {  	v16 =	vmul.f32 v14, v16  }
0x150: {  	v11 =	vmul.f32 v14, v11  }
0x151: {  	[tilespmem:v13+s16+$0x0] =	vst.idx.msk $0xffff, v16  }
0x152: {  	[tilespmem:v10+s16+$0x0] =	vst.idx.msk $0xffff, v11;
	v11 =	vld [tilespmem:$0x1FE80]  }
0x153: {  	v9 =	vmax.f32 v9, $9.999999680e-21;
	v13 =	vmov v35  }
0x154: {  	v19 =	vmul.f32 $5.000000000e-01, v9;
	[tilespmem:$0x1FE70] =	vst v13;
	v13 =	vshra.s32 v9, $0x1;
	v9 =	vld [tilespmem:$0x1FE90];
	_ =	sdelay $0x3  }
0x155: {  	v18 =	vmul.f32 v14, v22  }
0x156: {  	v10 =	vmul.f32 v14, v58  }
0x157: {  	[tilespmem:v11+s16+$0x0] =	vst.idx.msk $0xffff, v18;
	v11 =	vmul.f32 v14, v57  }
0x158: {  	[tilespmem:v33+s16+$0x0] =	vst.idx.msk $0xffff, v10  }
0x159: {  	v16 =	vmov v36;
	[tilespmem:v9+s16+$0x0] =	vst.idx.msk $0xffff, v11;
	v11 =	vsub.s32 $0x5F3759DF, v13;
	v13 =	vld [tilespmem:$0x1FEA0]  }
0x15a: {  	v17 =	vmov v34;
	v0 =	vlaneseq.u32;
	[tilespmem:$0x1FE60] =	vst v16;
	v16 =	vld [tilespmem:$0x1FEB0]  }
0x15b: {  	[tilespmem:$0x1FE50] =	vst v17;
	v17 =	vld [tilespmem:$0x1FEC0];
	v0 =	vor.u32 s28, v0  }
0x15c: {  	v43 =	vmov v38;
	v38 =	vshll.u32 v0, $0x4  }
0x15d: {  	v41 =	vmov v39;
	v39 =	vor.u32 $0x1, v38;
	_ =	sdelay $0x1  }
0x15e: {  	v10 =	vmul.f32 v14, v61;
	v9 =	vmov v40  }
0x15f: {  	v7 =	vmul.f32 v14, v7;
	[tilespmem:$0x1FE80] =	vst v9  }
0x160: {  	v8 =	vmul.f32 v14, v8;
	v9 =	vld.idx.msk [tilespmem:v38+s16+$0x0], $0xffff;
	[tilespmem:v13+s16+$0x0] =	vst.idx.msk $0xffff, v10  }
0x161: {  	v13 =	vmul.f32 v11, v19;
	v10 =	vld.idx.msk [tilespmem:v39+s16+$0x0], $0xffff;
	[tilespmem:v16+s16+$0x0] =	vst.idx.msk $0xffff, v7  }
0x162: {  	[tilespmem:v17+s16+$0x0] =	vst.idx.msk $0xffff, v8;
	v8 =	vmul.f32 v14, v12;
	v12 =	vmov v51  }
0x163: {  	[tilespmem:$0x1FF10] =	vst v12;
	v12 =	vmul.f32 v11, v13;
	v13 =	vld [tilespmem:$0x1FED0];
	_ =	sdelay $0x1  }
0x164: {  	v34 =	vor.u32 $0x2, v38;
	v18 =	vld [tilespmem:$0x1FF00]  }
0x165: {  	v45 =	vmov v37;
	v37 =	vor.u32 $0x3, v38  }
0x166: {  	v36 =	vor.u32 $0x4, v38;
	_ =	sdelay $0x1  }
0x167: {  	v7 =	vmul.f32 v14, v31  }
0x168: {  	v51 =	vld.idx.msk [tilespmem:v34+s16+$0x0], $0xffff  }
0x169: {  	v20 =	vld.idx.msk [tilespmem:v37+s16+$0x0], $0xffff;
	[tilespmem:v13+s16+$0x0] =	vst.idx.msk $0xffff, v7  }
0x16a: {  	v13 =	vld.idx.msk [tilespmem:v36+s16+$0x0], $0xffff  }
0x16b: {  	[tilespmem:v18+s16+$0x0] =	vst.idx.msk $0xffff, v8;
	v18 =	vld [tilespmem:$0x1FF30];
	_ =	sdelay $0x2  }
0x16c: {  	v35 =	vor.u32 $0x5, v38  }
0x16d: {  	v40 =	vor.u32 $0x6, v38  }
0x16e: {  	v22 =	vmul.f32 v14, v48  }
0x16f: {  	[tilespmem:$0x1FEE0] =	vst v23;
	v21 =	vmul.f32 v14, v32;
	v7 =	vmov v63  }
0x170: {  	[tilespmem:$0x1FF20] =	vst v7  }
0x171: {  	v23 =	vld.idx.msk [tilespmem:v35+s16+$0x0], $0xffff;
	[tilespmem:v18+s16+$0x0] =	vst.idx.msk $0xffff, v21  }
0x172: {  	v16 =	vor.u32 $0x7, v38;
	v7 =	vld.idx.msk [tilespmem:v40+s16+$0x0], $0xffff;
	[tilespmem:v54+s16+$0x0] =	vst.idx.msk $0xffff, v22;
	v22 =	vmov v5;
	v5 =	vmov v62  }
0x173: {  	v12 =	vsub.f32 $1.500000000e+00, v12;
	[tilespmem:$0x1FEC0] =	vst v5;
	v5 =	vld [tilespmem:$0x1FE10];
	_ =	sdelay $0x1  }
0x174: {  	v24 =	vmul.f32 v11, v12;
	v8 =	vmov v2;
	v2 =	vmov v50;
	_ =	sdelay $0x1  }
0x175: {  	v14 =	vor.u32 $0x9, v38;
	v46 =	vmov v16;
	[tilespmem:$0x1FF40] =	vst v8;
	v25 =	vld.idx.msk [tilespmem:v16+s16+$0x0], $0xffff;
	v16 =	vmul.f32 v24, v19  }
0x176: {  	v58 =	vmovc v1;
	[tilespmem:$0x1FE90] =	vst v2;
	v8 =	vor.u32 $0xB, v38;
	v2 =	vmov v3;
	v1 =	vmov v5  }
0x177: {  	[tilespmem:$0x1FED0] =	vst v1;
	v1 =	vmul.f32 v16, v24  }
0x178: {  	s26 =	sadd.s32 $0x10, s26;
	v61 =	vmov v4;
	v4 =	vld [tilespmem:$0x1FE40]  }
0x179: {  	[tilespmem:$0x1FF50] =	vst v2;
	v2 =	vmov v55;
	v11 =	vld [tilespmem:s26+$0xFFFFFF80];
	v55 =	vsub.f32 $1.500000000e+00, v1  }
0x17a: {  	v17 =	vor.u32 $0x8, v38;
	v28 =	vld.idx.msk [tilespmem:v14+s16+$0x0], $0xffff  }
0x17b: {  	v32 =	vmovc v47;
	v47 =	vmov v14;
	v12 =	vor.u32 $0xC, v38;
	v60 =	vld.idx.msk [tilespmem:v8+s16+$0x0], $0xffff;
	v14 =	vmul.f32 v55, v24  }
0x17c: {  	v18 =	vor.u32 $0xA, v38;
	v62 =	vmov v8;
	v8 =	vld [tilespmem:$0x1FF70]  }
0x17d: {  	v3 =	vmov v49;
	v21 =	vor.u32 $0xD, v38;
	v49 =	vmul.f32 v14, v19;
	v19 =	vld [tilespmem:$0x1FE20]  }
0x17e: {  	v57 =	vmov v6;
	v6 =	vmov v52  }
0x17f: {  	v29 =	vor.u32 $0xE, v38;
	[tilespmem:$0x1FF00] =	vst v6;
	v31 =	vor.u32 $0xF, v38;
	v26 =	vld.idx.msk [tilespmem:v17+s16+$0x0], $0xffff  }
0x180: {  	v52 =	vmovc v29;
	v33 =	vmovc v53;
	v44 =	vmov v17;
	v63 =	vmov v20;
	v50 =	vmov v12;
	[tilespmem:$0x1FEB0] =	vst v3;
	v12 =	vld.idx.msk [tilespmem:v12+s16+$0x0], $0xffff  }
0x181: {  	v20 =	vmul.f32 v20, v63;
	v3 =	vmovc v23;
	[tilespmem:$0x1FEA0] =	vst v2;
	v30 =	vld.idx.msk [tilespmem:v18+s16+$0x0], $0xffff;
	vm0 =	vgt.f32 v11, $0.0e+00;
	v6 =	vmov v8  }
0x182: {  	v2 =	vmovc v13;
	v17 =	vmul.f32 v10, v10;
	(erf) = vrcp.f32 v11;
	v11 =	vld.idx.msk [tilespmem:v21+s16+$0x0], $0xffff;
	v4 =	vnsel vm0, $0xFFFFFFFF, v4;
	v19 =	vmovc v19  }
0x183: {  	p1 =	sne.s32 s28, $0x70;
	v48 =	vmovc v18;
	v54 =	vmov v21;
	v18 =	vmul.f32 v51, v51;
	v21 =	vmul.f32 v13, v2;
	[tilespmem:$0x1FF30] =	vst v19;
	v19 =	vld [tilespmem:$0x1FE30]  }
.Ltmp2:
0x184: {  	v5 =	vmovc v7;
	v13 =	vld.idx.msk [tilespmem:v31+s16+$0x0], $0xffff;
	v8 =	vmov v27;
	[tilespmem:$0x1FE40] =	vst v6;
	vm0 =	vgt.s32 v15, v4;
	v6 =	vmov v0;
	(pc) =	sbr.rel @p1 .LBB2_6-.Ltmp2, $4  }
0x185: {  	v16 =	vmul.f32 v9, v9;
	v15 =	vsel vm0, v15, v4;
	v4 =	vmovc v28;
	v24 =	vmul.f32 v23, v3  }
0x186: {  	v23 =	vmul.f32 v7, v5;
	v1 =	vmovc v25;
	v28 =	vmul.f32 v28, v4;
	v7 =	vmovc v59;
	v59 =	vmov v30  }
0x187: {  	v0 =	vld.idx.msk [tilespmem:v29+s16+$0x0], $0xffff;
	[tilespmem:$0x1FF70] =	vst v6;
	v6 =	vmov v26;
	v25 =	vmul.f32 v25, v1;
	v29 =	vmul.f32 v30, v59  }
0x188: {  	s28 =	sadd.s32 $0x10, s28;
	v27 =	vmovc v60;
	v26 =	vmul.f32 v26, v6;
	v53 =	vmovc v19;
	v19 =	vmul.f32 v49, v14;
	v49 =	vmov v31  }
0x189: {  	_ = 	snop  }
0x18a: {  	v16 =	vadd.f32 v17, v16;
	v17 =	vadd.f32 v20, v18;
	v18 =	vmul.f32 v60, v27  }
0x18b: {  	v20 =	vadd.f32 v24, v21;
	v21 =	vmul.f32 v12, v12;
	v24 =	vmul.f32 v11, v11  }
0x18c: {  	v23 =	vadd.f32 v25, v23;
	v30 =	vmul.f32 v13, v13;
	v25 =	vmul.f32 v0, v0  }
0x18d: {  	v26 =	vadd.f32 v28, v26;
	v18 =	vadd.f32 v18, v29  }
0x18e: {  	v21 =	vadd.f32 v24, v21;
	v24 =	vadd.f32 v30, v25  }
0x18f: {  	v16 =	vadd.f32 v17, v16;
	v17 =	vadd.f32 v23, v20  }
0x190: {  	v18 =	vadd.f32 v18, v26;
	v20 =	vadd.f32 v24, v21;
	_ =	sdelay $0x1  }
0x191: {  	v16 =	vadd.f32 v17, v16;
	v17 =	vadd.f32 v20, v18;
	_ =	sdelay $0x1  }
0x192: {  	v16 =	vadd.f32 v17, v16;
	_ =	sdelay $0x1  }
0x193: {  	v16 =	vmax.f32 v16, $9.999999680e-21  }
0x194: {  	v17 =	vshra.s32 v16, $0x1;
	v16 =	vmul.f32 $5.000000000e-01, v16  }
0x195: {  	v17 =	vsub.s32 $0x5F3759DF, v17  }
0x196: {  	v18 =	vmul.f32 v17, v16;
	_ =	sdelay $0x1  }
0x197: {  	v18 =	vmul.f32 v17, v18;
	_ =	sdelay $0x1  }
0x198: {  	v18 =	vsub.f32 $1.500000000e+00, v18;
	_ =	sdelay $0x1  }
0x199: {  	v17 =	vmul.f32 v17, v18;
	v18 =	vld [tilespmem:$0x1FEE0]  }
0x19a: {  	v19 =	vsub.f32 $1.500000000e+00, v19;
	v20 =	vld [tilespmem:$0x1FEF0];
	_ =	sdelay $0x1  }
0x19b: {  	v14 =	vmul.f32 v19, v14;
	_ =	sdelay $0x1  }
0x19c: {  	v18 =	vmul.f32 v14, v18  }
0x19d: {  	v20 =	vmul.f32 v14, v20  }
0x19e: {  	[tilespmem:v43+s16+$0x0] =	vst.idx.msk $0xffff, v18  }
0x19f: {  	v18 =	vld [tilespmem:$0x1FF10];
	[tilespmem:v41+s16+$0x0] =	vst.idx.msk $0xffff, v20  }
0x1a0: {  	v21 =	vld [tilespmem:$0x1FE50];
	_ =	sdelay $0x1  }
0x1a1: {  	v20 =	vld [tilespmem:$0x1FF20];
	_ =	sdelay $0x3  }
0x1a2: {  	v18 =	vmul.f32 v14, v18  }
0x1a3: {  	v20 =	vmul.f32 v14, v20  }
0x1a4: {  	[tilespmem:v21+s16+$0x0] =	vst.idx.msk $0xffff, v18  }
0x1a5: {  	v18 =	vld [tilespmem:$0x1FF40];
	[tilespmem:v45+s16+$0x0] =	vst.idx.msk $0xffff, v20  }
0x1a6: {  	v21 =	vld [tilespmem:$0x1FE60];
	_ =	sdelay $0x2  }
0x1a7: {  	v19 =	vmul.f32 v17, v16;
	_ =	sdelay $0x1  }
0x1a8: {  	v19 =	vmul.f32 v19, v17  }
0x1a9: {  	v18 =	vmul.f32 v14, v18  }
0x1aa: {  	v19 =	vsub.f32 $1.500000000e+00, v19  }
0x1ab: {  	v20 =	vld [tilespmem:$0x1FF50];
	[tilespmem:v21+s16+$0x0] =	vst.idx.msk $0xffff, v18  }
0x1ac: {  	v17 =	vmul.f32 v19, v17;
	v19 =	vld [tilespmem:$0x1FE70];
	_ =	sdelay $0x5  }
0x1ad: {  	v20 =	vmul.f32 v14, v20;
	_ =	sdelay $0x1  }
0x1ae: {  	[tilespmem:v19+s16+$0x0] =	vst.idx.msk $0xffff, v20  }
0x1af: {  	v20 =	vld [tilespmem:$0x1FE80];
	_ =	sdelay $0x5  }
0x1b0: {  	v18 =	vmul.f32 v14, v22  }
0x1b1: {  	v19 =	vmul.f32 v14, v58  }
0x1b2: {  	[tilespmem:v20+s16+$0x0] =	vst.idx.msk $0xffff, v18  }
0x1b3: {  	[tilespmem:v33+s16+$0x0] =	vst.idx.msk $0xffff, v19  }
0x1b4: {  	v20 =	vld [tilespmem:$0x1FE90];
	_ =	sdelay $0x5  }
0x1b5: {  	v18 =	vmul.f32 v14, v57;
	_ =	sdelay $0x1  }
0x1b6: {  	[tilespmem:v20+s16+$0x0] =	vst.idx.msk $0xffff, v18  }
0x1b7: {  	v18 =	vld [tilespmem:$0x1FEA0];
	_ =	sdelay $0x5  }
0x1b8: {  	v19 =	vmul.f32 v14, v61;
	_ =	sdelay $0x1  }
0x1b9: {  	[tilespmem:v18+s16+$0x0] =	vst.idx.msk $0xffff, v19  }
0x1ba: {  	v18 =	vld [tilespmem:$0x1FEB0];
	_ =	sdelay $0x5  }
0x1bb: {  	v7 =	vmul.f32 v14, v7;
	_ =	sdelay $0x1  }
0x1bc: {  	[tilespmem:v18+s16+$0x0] =	vst.idx.msk $0xffff, v7  }
0x1bd: {  	v18 =	vld [tilespmem:$0x1FEC0];
	_ =	sdelay $0x5  }
0x1be: {  	v8 =	vmul.f32 v14, v8;
	_ =	sdelay $0x1  }
0x1bf: {  	[tilespmem:v18+s16+$0x0] =	vst.idx.msk $0xffff, v8  }
0x1c0: {  	v18 =	vld [tilespmem:$0x1FED0];
	_ =	sdelay $0x2  }
0x1c1: {  	v16 =	vmul.f32 v17, v16;
	_ =	sdelay $0x1  }
0x1c2: {  	v16 =	vmul.f32 v16, v17  }
0x1c3: {  	v7 =	vmul.f32 v14, v32  }
0x1c4: {  	v16 =	vsub.f32 $1.500000000e+00, v16  }
0x1c5: {  	[tilespmem:v18+s16+$0x0] =	vst.idx.msk $0xffff, v7  }
0x1c6: {  	v16 =	vmul.f32 v16, v17;
	v17 =	vld [tilespmem:$0x1FF00];
	_ =	sdelay $0x5  }
0x1c7: {  	v8 =	vmul.f32 v14, v56;
	_ =	sdelay $0x1  }
0x1c8: {  	[tilespmem:v17+s16+$0x0] =	vst.idx.msk $0xffff, v8  }
0x1c9: {  	v8 =	vld [tilespmem:$0x1FF60];
	_ =	sdelay $0x4  }
0x1ca: {  	v7 =	vmul.f32 v14, v42;
	v8 =	vmul.f32 v14, v8;
	v14 =	vld [tilespmem:$0x1FF30];
	_ =	sdelay $0x7  }
0x1cb: {  	[tilespmem:v14+s16+$0x0] =	vst.idx.msk $0xffff, v7;
	v7 =	vmul.f32 v16, v9  }
0x1cc: {  	[tilespmem:v53+s16+$0x0] =	vst.idx.msk $0xffff, v8;
	v8 =	vmul.f32 v16, v10  }
0x1cd: {  	[tilespmem:v38+s16+$0x0] =	vst.idx.msk $0xffff, v7;
	v7 =	vmul.f32 v16, v51  }
0x1ce: {  	[tilespmem:v39+s16+$0x0] =	vst.idx.msk $0xffff, v8;
	v8 =	vmul.f32 v16, v63  }
0x1cf: {  	v2 =	vmul.f32 v16, v2;
	[tilespmem:v34+s16+$0x0] =	vst.idx.msk $0xffff, v7  }
0x1d0: {  	v3 =	vmul.f32 v16, v3;
	[tilespmem:v37+s16+$0x0] =	vst.idx.msk $0xffff, v8  }
0x1d1: {  	[tilespmem:v36+s16+$0x0] =	vst.idx.msk $0xffff, v2;
	v2 =	vmul.f32 v16, v5  }
0x1d2: {  	v1 =	vmul.f32 v16, v1;
	[tilespmem:v35+s16+$0x0] =	vst.idx.msk $0xffff, v3  }
0x1d3: {  	[tilespmem:v40+s16+$0x0] =	vst.idx.msk $0xffff, v2;
	v2 =	vmul.f32 v16, v6  }
0x1d4: {  	[tilespmem:v46+s16+$0x0] =	vst.idx.msk $0xffff, v1;
	v1 =	vmul.f32 v16, v4  }
0x1d5: {  	[tilespmem:v44+s16+$0x0] =	vst.idx.msk $0xffff, v2;
	v2 =	vmul.f32 v16, v59  }
0x1d6: {  	[tilespmem:v47+s16+$0x0] =	vst.idx.msk $0xffff, v1;
	v1 =	vmul.f32 v16, v27  }
0x1d7: {  	[tilespmem:v48+s16+$0x0] =	vst.idx.msk $0xffff, v2;
	v2 =	vmul.f32 v16, v12  }
0x1d8: {  	[tilespmem:v62+s16+$0x0] =	vst.idx.msk $0xffff, v1;
	v1 =	vmul.f32 v16, v11  }
0x1d9: {  	v0 =	vmul.f32 v16, v0;
	[tilespmem:v50+s16+$0x0] =	vst.idx.msk $0xffff, v2  }
0x1da: {  	[tilespmem:v54+s16+$0x0] =	vst.idx.msk $0xffff, v1;
	v1 =	vmul.f32 v16, v13  }
0x1db: {  	s0 =	sadd.s32 $0x10, s26;
	[tilespmem:v52+s16+$0x0] =	vst.idx.msk $0xffff, v0  }
0x1dc: {  	s3 =	sadd.s32 $0x10, s0;
	v10 =	vld [tilespmem:s0+$0xFFFFFF80];
	[tilespmem:v49+s16+$0x0] =	vst.idx.msk $0xffff, v1  }
0x1dd: {  	v9 =	vld [tilespmem:s3+$0xFFFFFF80];
	_ =	sdelay $0x3  }
0x1de: {  	(erf) = vrcp.f32 v10  }
0x1df: {  	(erf) = vrcp.f32 v9;
	_ =	sdelay $0x6  }
0x1e0: {  	v0 =	vpop (erf)  }
0x1e1: {  	[tilespmem:s26+$0x0] =	vst v0;
	v1 =	vpop (erf)  }
0x1e2: {  	[tilespmem:s0+$0x0] =	vst v1;
	v0 =	vpop (erf)  }
0x1e3: {  	[tilespmem:s3+$0x0] =	vst v0;
	s3 =	sand.u32 $0x60, s25  }
0x1e4: {  	s26 =	simm.s32 $0x4000;
	s0 =	sand.u32 $0x380, s25;
	v3 =	vld [tilespmem:s25+$0x0];
	s29 =	sor.u32 $0x10, s3  }
0x1e5: {  	s5 =	sor.u32 $0x400, s0;
	v11 =	vld [tilespmem:s26+$0x0];
	s4 =	sor.u32 s0, s29  }
0x1e6: {  	s6 =	sor.u32 $0x800, s0;
	s7 =	sor.u32 s29, s5;
	v0 =	vld [tilespmem:s4+$0x0]  }
0x1e7: {  	s10 =	sor.u32 $0xC00, s0;
	s13 =	sor.u32 s29, s6;
	v1 =	vld [tilespmem:s7+$0x0]  }
0x1e8: {  	s11 =	sor.u32 $0x1000, s0;
	s14 =	sor.u32 s29, s10;
	v2 =	vld [tilespmem:s13+$0x0]  }
0x1e9: {  	s12 =	sor.u32 $0x1400, s0;
	s17 =	sor.u32 s29, s11;
	v4 =	vld [tilespmem:s14+$0x0]  }
0x1ea: {  	s18 =	sor.u32 s29, s12;
	v5 =	vld [tilespmem:s17+$0x0]  }
0x1eb: {  	s5 =	sor.u32 s3, s5;
	v7 =	vld [tilespmem:s18+$0x0]  }
0x1ec: {  	s6 =	sor.u32 s3, s6;
	v12 =	vld [tilespmem:s5+$0x0]  }
0x1ed: {  	s10 =	sor.u32 s3, s10;
	v23 =	vld [tilespmem:s6+$0x0]  }
0x1ee: {  	s11 =	sor.u32 s3, s11;
	v24 =	vld [tilespmem:s10+$0x0]  }
0x1ef: {  	s12 =	sor.u32 s3, s12;
	v25 =	vld [tilespmem:s11+$0x0]  }
0x1f0: {  	s13 =	sor.u32 $0x1800, s0;
	v26 =	vld [tilespmem:s12+$0x0]  }
0x1f1: {  	s14 =	sor.u32 $0x1C00, s0;
	v14 =	vld [tilespmem:s4+$0x4000];
	s19 =	sor.u32 s29, s13  }
0x1f2: {  	s17 =	sor.u32 $0x2000, s0;
	s20 =	sor.u32 s29, s14;
	v6 =	vld [tilespmem:s19+$0x0]  }
0x1f3: {  	s7 =	sor.u32 $0x2800, s0;
	s21 =	sor.u32 s29, s17;
	v8 =	vld [tilespmem:s20+$0x0]  }
0x1f4: {  	s23 =	sor.u32 s29, s7;
	v16 =	vld [tilespmem:s21+$0x0]  }
0x1f5: {  	s13 =	sor.u32 s3, s13;
	v19 =	vld [tilespmem:s23+$0x0]  }
0x1f6: {  	s14 =	sor.u32 s3, s14;
	v27 =	vld [tilespmem:s13+$0x0]  }
0x1f7: {  	s18 =	sor.u32 $0x2400, s0;
	s17 =	sor.u32 s3, s17;
	v28 =	vld [tilespmem:s14+$0x0]  }
0x1f8: {  	s19 =	sor.u32 s29, s18;
	v29 =	vld [tilespmem:s17+$0x0]  }
0x1f9: {  	s20 =	sor.u32 $0x2C00, s0;
	s18 =	sor.u32 s3, s18;
	v20 =	vld [tilespmem:s19+$0x0]  }
0x1fa: {  	s21 =	sor.u32 $0x3000, s0;
	s30 =	sor.u32 s29, s20;
	v30 =	vld [tilespmem:s18+$0x0]  }
0x1fb: {  	s31 =	sor.u32 s29, s21;
	v22 =	vld [tilespmem:s30+$0x0]  }
0x1fc: {  	s19 =	sor.u32 s3, s7;
	v21 =	vld [tilespmem:s31+$0x0]  }
0x1fd: {  	s20 =	sor.u32 s3, s20;
	v31 =	vld [tilespmem:s19+$0x0]  }
0x1fe: {  	s23 =	sor.u32 $0x3400, s0;
	s21 =	sor.u32 s3, s21;
	v32 =	vld [tilespmem:s20+$0x0]  }
0x1ff: {  	s28 =	sor.u32 $0x3800, s0;
	s30 =	sor.u32 s29, s23;
	v33 =	vld [tilespmem:s21+$0x0]  }
0x200: {  	v13 =	vshll.u32 v11, $0x4;
	s31 =	sor.u32 s29, s28;
	v17 =	vld [tilespmem:s30+$0x0]  }
0x201: {  	v47 =	vor.u32 $0x1, v13;
	v18 =	vld [tilespmem:s31+$0x0];
	s30 =	sor.u32 s3, s23  }
0x202: {  	s0 =	sor.u32 $0x3C00, s0;
	v48 =	vor.u32 $0x2, v13;
	s31 =	sor.u32 s3, s28;
	v34 =	vld [tilespmem:s30+$0x0]  }
0x203: {  	v54 =	vor.u32 $0x8, v13;
	s3 =	sor.u32 s3, s0;
	v37 =	vld [tilespmem:s31+$0x0]  }
0x204: {  	v38 =	vld [tilespmem:s3+$0x0]  }
0x205: {  	v49 =	vor.u32 $0x3, v13;
	v41 =	vld.idx.msk [tilespmem:v13+s16+$0x0], $0xffff  }
0x206: {  	v50 =	vor.u32 $0x4, v13;
	v35 =	vld.idx.msk [tilespmem:v47+s16+$0x0], $0xffff  }
0x207: {  	v51 =	vor.u32 $0x5, v13;
	v36 =	vld.idx.msk [tilespmem:v48+s16+$0x0], $0xffff  }
0x208: {  	v52 =	vor.u32 $0x6, v13;
	v53 =	vor.u32 $0x7, v13;
	v55 =	vor.u32 $0x9, v13;
	v45 =	vld.idx.msk [tilespmem:v54+s16+$0x0], $0xffff  }
0x209: {  	v56 =	vor.u32 $0xA, v13;
	v57 =	vor.u32 $0xB, v13;
	v58 =	vor.u32 $0xC, v13;
	v54 =	vld [tilespmem:$0x1FE40]  }
0x20a: {  	v59 =	vor.u32 $0xD, v13;
	v60 =	vor.u32 $0xE, v13;
	v13 =	vor.u32 $0xF, v13;
	v39 =	vld.idx.msk [tilespmem:v49+s16+$0x0], $0xffff  }
0x20b: {  	v40 =	vld.idx.msk [tilespmem:v50+s16+$0x0], $0xffff  }
0x20c: {  	v42 =	vld.idx.msk [tilespmem:v51+s16+$0x0], $0xffff  }
0x20d: {  	vm0 =	vgt.f32 v10, $0.0e+00;
	v43 =	vld.idx.msk [tilespmem:v52+s16+$0x0], $0xffff  }
0x20e: {  	v47 =	vld.idx.msk [tilespmem:v56+s16+$0x0], $0xffff;
	v54 =	vnsel vm0, $0xFFFFFFFF, v54  }
0x20f: {  	v56 =	vld.idx.msk [tilespmem:v13+s16+$0x0], $0xffff;
	vm0 =	vgt.s32 v15, v54  }
0x210: {  	v13 =	vsel vm0, v15, v54;
	v15 =	vld [tilespmem:$0x1FF70]  }
0x211: {  	v44 =	vld.idx.msk [tilespmem:v53+s16+$0x0], $0xffff;
	v52 =	vshll.u32 v14, $0x4  }
0x212: {  	v46 =	vld.idx.msk [tilespmem:v55+s16+$0x0], $0xffff;
	v61 =	vor.u32 $0x1, v52  }
0x213: {  	v48 =	vld.idx.msk [tilespmem:v57+s16+$0x0], $0xffff  }
0x214: {  	vm1 =	vgt.f32 v9, $0.0e+00;
	v49 =	vld.idx.msk [tilespmem:v58+s16+$0x0], $0xffff;
	v62 =	vor.u32 $0x2, v52  }
0x215: {  	v10 =	vld.idx.msk [tilespmem:v59+s16+$0x0], $0xffff;
	v55 =	vor.u32 $0x3, v52;
	v15 =	vnsel vm1, $0xFFFFFFFF, v15  }
0x216: {  	v51 =	vld.idx.msk [tilespmem:v60+s16+$0x0], $0xffff;
	v9 =	vor.u32 $0x4, v52;
	vm0 =	vgt.s32 v13, v15  }
0x217: {  	v63 =	vor.u32 $0x5, v52;
	v53 =	vld.idx.msk [tilespmem:v61+s16+$0x0], $0xffff;
	v13 =	vsel vm0, v13, v15  }
0x218: {  	v60 =	vor.u32 $0x6, v52;
	v54 =	vld.idx.msk [tilespmem:v52+s16+$0x0], $0xffff;
	[tilespmem:$0x1FE00] =	vst v13  }
0x219: {  	v12 =	vmul.f32 v35, v12;
	v35 =	vor.u32 $0x8, v52;
	v50 =	vld.idx.msk [tilespmem:v62+s16+$0x0], $0xffff  }
0x21a: {  	v3 =	vmul.f32 v41, v3;
	v39 =	vmul.f32 v39, v24;
	v24 =	vor.u32 $0x9, v52;
	v41 =	vld.idx.msk [tilespmem:v55+s16+$0x0], $0xffff  }
0x21b: {  	v40 =	vmul.f32 v40, v25;
	v25 =	vor.u32 $0xA, v52;
	v55 =	vld.idx.msk [tilespmem:v9+s16+$0x0], $0xffff  }
0x21c: {  	v23 =	vmul.f32 v36, v23;
	v42 =	vmul.f32 v42, v26;
	v15 =	vor.u32 $0x7, v52;
	v57 =	vld.idx.msk [tilespmem:v63+s16+$0x0], $0xffff  }
0x21d: {  	v43 =	vmul.f32 v43, v27;
	v28 =	vmul.f32 v44, v28;
	v44 =	vor.u32 $0xB, v52;
	v58 =	vld.idx.msk [tilespmem:v60+s16+$0x0], $0xffff  }
0x21e: {  	v45 =	vmul.f32 v45, v29;
	v46 =	vmul.f32 v46, v30;
	v61 =	vor.u32 $0xD, v52;
	v9 =	vld.idx.msk [tilespmem:v35+s16+$0x0], $0xffff  }
0x21f: {  	v31 =	vmul.f32 v47, v31;
	v47 =	vmul.f32 v48, v32;
	v60 =	vor.u32 $0xC, v52;
	v29 =	vld.idx.msk [tilespmem:v24+s16+$0x0], $0xffff  }
0x220: {  	v33 =	vmul.f32 v49, v33;
	v36 =	vmul.f32 v10, v34;
	v62 =	vor.u32 $0xE, v52;
	v26 =	vld.idx.msk [tilespmem:v25+s16+$0x0], $0xffff  }
0x221: {  	v30 =	vmul.f32 v51, v37;
	v27 =	vadd.f32 v42, v40;
	v63 =	vor.u32 $0xF, v52;
	v59 =	vld.idx.msk [tilespmem:v15+s16+$0x0], $0xffff  }
0x222: {  	v37 =	vadd.f32 v47, v31;
	v34 =	vmul.f32 v56, v38;
	v10 =	vmul.f32 v54, v0;
	v35 =	vld.idx.msk [tilespmem:v44+s16+$0x0], $0xffff  }
0x223: {  	v24 =	vadd.f32 v12, v3;
	v25 =	vadd.f32 v39, v23;
	v0 =	vld.idx.msk [tilespmem:v61+s16+$0x0], $0xffff;
	v15 =	vmul.f32 v53, v1  }
0x224: {  	v12 =	vimm.f32 $0.0e+00;
	v32 =	vld.idx.msk [tilespmem:v60+s16+$0x0], $0xffff;
	v3 =	vmul.f32 v50, v2;
	v23 =	vmul.f32 v41, v4  }
0x225: {  	v1 =	vadd.f32 v28, v43;
	v4 =	vmul.f32 v55, v5;
	v5 =	vmul.f32 v57, v7;
	v31 =	vld.idx.msk [tilespmem:v62+s16+$0x0], $0xffff  }
0x226: {  	s28 =	simm.s32 $0x0;
	s0 =	sor.u32 s29, s0;
	s29 =	simm.s32 $0x20;
	v2 =	vadd.f32 v46, v45;
	v6 =	vmul.f32 v58, v6;
	v28 =	vld.idx.msk [tilespmem:v63+s16+$0x0], $0xffff;
	v7 =	vmul.f32 v59, v8  }
.LBB2_8:
0x227: {  	s31 =	sand.u32 $0x60, s29;
	v8 =	vadd.f32 v36, v33;
	v33 =	vld [tilespmem:s0+$0x0];
	v16 =	vmul.f32 v9, v16;
	v20 =	vmul.f32 v29, v20;
	s25 =	sadd.s32 $0x20, s25  }
0x228: {  	s10 =	sand.u32 $0x380, s29;
	v29 =	vadd.f32 v34, v30;
	v19 =	vmul.f32 v26, v19;
	v22 =	vmul.f32 v35, v22;
	s26 =	sadd.s32 $0x20, s26;
	v9 =	vld [tilespmem:s25+$0x0];
	s30 =	sor.u32 $0x10, s31  }
0x229: {  	v24 =	vadd.f32 v25, v24;
	v25 =	vadd.f32 v1, v27;
	s12 =	sor.u32 $0x400, s10;
	v21 =	vmul.f32 v32, v21;
	v26 =	vld [tilespmem:s26+$0x0];
	s0 =	sor.u32 s10, s30  }
0x22a: {  	s13 =	sor.u32 $0x800, s10;
	v27 =	vadd.f32 v37, v2;
	s3 =	sor.u32 s30, s12;
	v8 =	vadd.f32 v29, v8;
	v0 =	vmul.f32 v0, v17;
	v1 =	vld [tilespmem:s0+$0x0]  }
0x22b: {  	v10 =	vadd.f32 v15, v10;
	v15 =	vadd.f32 v23, v3;
	s14 =	sor.u32 $0xC00, s10;
	v17 =	vmul.f32 v31, v18;
	v2 =	vld [tilespmem:s3+$0x0];
	s3 =	sor.u32 s30, s13  }
0x22c: {  	v23 =	vadd.f32 v5, v4;
	s11 =	sor.u32 $0x1000, s10;
	s4 =	sor.u32 s30, s14;
	v3 =	vld [tilespmem:s3+$0x0];
	v18 =	vmul.f32 v28, v33;
	v28 =	vadd.f32 v7, v6  }
0x22d: {  	s5 =	sor.u32 s30, s11;
	v29 =	vadd.s32 $0x880, v11;
	v16 =	vadd.f32 v20, v16;
	v19 =	vadd.f32 v22, v19;
	s3 =	sor.u32 $0x1400, s10;
	v4 =	vld [tilespmem:s4+$0x0]  }
0x22e: {  	v0 =	vadd.f32 v0, v21;
	s4 =	sor.u32 $0x1800, s10;
	s6 =	sor.u32 s30, s3;
	v5 =	vld [tilespmem:s5+$0x0];
	v17 =	vadd.f32 v18, v17;
	v11 =	vmov v26  }
0x22f: {  	v14 =	vadd.s32 $0x880, v14;
	v20 =	vadd.f32 v8, v27;
	s5 =	sor.u32 $0x1C00, s10;
	v18 =	vadd.f32 v25, v24;
	v6 =	vld [tilespmem:s6+$0x0];
	s6 =	sor.u32 s30, s4  }
0x230: {  	v10 =	vadd.f32 v15, v10;
	v15 =	vadd.f32 v28, v23;
	v7 =	vld [tilespmem:s6+$0x0];
	s6 =	sor.u32 s30, s5  }
0x231: {  	s17 =	sor.u32 $0x2000, s10;
	v19 =	vadd.f32 v19, v16;
	v0 =	vadd.f32 v17, v0;
	v8 =	vld [tilespmem:s6+$0x0]  }
0x232: {  	v18 =	vadd.f32 v20, v18;
	s6 =	sor.u32 s30, s17;
	v17 =	vld.idx.msk [tilespmem:v29+s16+$0x0], $0xffff  }
0x233: {  	s7 =	sor.u32 $0x2400, s10;
	v10 =	vadd.f32 v15, v10;
	v0 =	vadd.f32 v0, v19;
	v16 =	vld [tilespmem:s6+$0x0]  }
0x234: {  	s18 =	sor.u32 s30, s7;
	s6 =	sor.u32 $0x2800, s10;
	v14 =	vld.idx.msk [tilespmem:v14+s16+$0x0], $0xffff  }
0x235: {  	s19 =	sor.u32 $0x2C00, s10;
	v15 =	vsub.f32 $5.000000000e-01, v18;
	v0 =	vadd.f32 v0, v10;
	v20 =	vld [tilespmem:s18+$0x0];
	s18 =	sor.u32 s30, s6  }
0x236: {  	s20 =	sor.u32 $0x3000, s10;
	v19 =	vld [tilespmem:s18+$0x0];
	s18 =	sor.u32 s30, s19  }
0x237: {  	s21 =	sor.u32 $0x3400, s10;
	v10 =	vmax.f32 v15, $0.0e+00;
	v0 =	vsub.f32 $5.000000000e-01, v0;
	v22 =	vld [tilespmem:s18+$0x0];
	s18 =	sor.u32 s30, s20  }
0x238: {  	s23 =	sor.u32 $0x3800, s10;
	v10 =	vmul.f32 v10, v17;
	v21 =	vld [tilespmem:s18+$0x0];
	s18 =	sor.u32 s30, s21  }
0x239: {  	v0 =	vmax.f32 v0, $0.0e+00;
	v17 =	vld [tilespmem:s18+$0x0];
	s18 =	sor.u32 s30, s23  }
0x23a: {  	s12 =	sor.u32 s31, s12;
	v10 =	vadd.f32 v10, v12;
	v0 =	vmul.f32 v0, v14;
	v18 =	vld [tilespmem:s18+$0x0]  }
0x23b: {  	v15 =	vld [tilespmem:s12+$0x0];
	s12 =	sor.u32 s31, s13  }
0x23c: {  	v12 =	vadd.f32 v0, v10;
	v23 =	vld [tilespmem:s12+$0x0];
	s12 =	sor.u32 s31, s14  }
0x23d: {  	s11 =	sor.u32 s31, s11;
	v0 =	vld [tilespmem:s12+$0x0]  }
0x23e: {  	s3 =	sor.u32 s31, s3;
	v10 =	vld [tilespmem:s11+$0x0]  }
0x23f: {  	v24 =	vld [tilespmem:s3+$0x0];
	s3 =	sor.u32 s31, s4  }
0x240: {  	v25 =	vld [tilespmem:s3+$0x0];
	s3 =	sor.u32 s31, s5  }
0x241: {  	v26 =	vld [tilespmem:s3+$0x0];
	s3 =	sor.u32 s31, s17  }
0x242: {  	v27 =	vld [tilespmem:s3+$0x0];
	s3 =	sor.u32 s31, s7  }
0x243: {  	v28 =	vld [tilespmem:s3+$0x0];
	s3 =	sor.u32 s31, s6  }
0x244: {  	v29 =	vld [tilespmem:s3+$0x0];
	s3 =	sor.u32 s31, s19  }
0x245: {  	v30 =	vld [tilespmem:s3+$0x0];
	s3 =	sor.u32 s31, s20  }
0x246: {  	v32 =	vshll.u32 v11, $0x4;
	v31 =	vld [tilespmem:s3+$0x0];
	s3 =	sor.u32 s31, s21  }
0x247: {  	v33 =	vor.u32 $0x1, v32;
	s10 =	sor.u32 $0x3C00, s10;
	v34 =	vld [tilespmem:s3+$0x0];
	s3 =	sor.u32 s31, s23  }
0x248: {  	v36 =	vor.u32 $0x2, v32;
	v35 =	vld [tilespmem:s3+$0x0];
	s3 =	sor.u32 s31, s10  }
0x249: {  	v38 =	vor.u32 $0x3, v32;
	v37 =	vld [tilespmem:s3+$0x0]  }
0x24a: {  	v39 =	vor.u32 $0x4, v32;
	v14 =	vld [tilespmem:s0+$0x4000]  }
0x24b: {  	v41 =	vor.u32 $0x5, v32;
	v40 =	vld.idx.msk [tilespmem:v32+s16+$0x0], $0xffff  }
0x24c: {  	v42 =	vor.u32 $0x6, v32;
	v33 =	vld.idx.msk [tilespmem:v33+s16+$0x0], $0xffff  }
0x24d: {  	v43 =	vor.u32 $0x7, v32;
	v36 =	vld.idx.msk [tilespmem:v36+s16+$0x0], $0xffff  }
0x24e: {  	v44 =	vor.u32 $0x8, v32;
	v38 =	vld.idx.msk [tilespmem:v38+s16+$0x0], $0xffff  }
0x24f: {  	v45 =	vor.u32 $0x9, v32;
	v39 =	vld.idx.msk [tilespmem:v39+s16+$0x0], $0xffff  }
0x250: {  	v46 =	vor.u32 $0xA, v32;
	v41 =	vld.idx.msk [tilespmem:v41+s16+$0x0], $0xffff  }
0x251: {  	v47 =	vor.u32 $0xB, v32;
	v42 =	vld.idx.msk [tilespmem:v42+s16+$0x0], $0xffff  }
0x252: {  	v48 =	vor.u32 $0xC, v32;
	v43 =	vld.idx.msk [tilespmem:v43+s16+$0x0], $0xffff  }
0x253: {  	v49 =	vor.u32 $0xD, v32;
	v44 =	vld.idx.msk [tilespmem:v44+s16+$0x0], $0xffff  }
0x254: {  	v50 =	vor.u32 $0xE, v32;
	v45 =	vld.idx.msk [tilespmem:v45+s16+$0x0], $0xffff  }
0x255: {  	v32 =	vor.u32 $0xF, v32;
	v46 =	vld.idx.msk [tilespmem:v46+s16+$0x0], $0xffff  }
0x256: {  	v51 =	vshll.u32 v14, $0x4;
	v47 =	vld.idx.msk [tilespmem:v47+s16+$0x0], $0xffff  }
0x257: {  	v52 =	vor.u32 $0x1, v51;
	v48 =	vld.idx.msk [tilespmem:v48+s16+$0x0], $0xffff  }
0x258: {  	v53 =	vor.u32 $0x2, v51;
	v49 =	vld.idx.msk [tilespmem:v49+s16+$0x0], $0xffff  }
0x259: {  	v54 =	vor.u32 $0x3, v51;
	v50 =	vld.idx.msk [tilespmem:v50+s16+$0x0], $0xffff  }
0x25a: {  	v55 =	vor.u32 $0x4, v51;
	v32 =	vld.idx.msk [tilespmem:v32+s16+$0x0], $0xffff  }
0x25b: {  	v57 =	vor.u32 $0x5, v51;
	v56 =	vld.idx.msk [tilespmem:v51+s16+$0x0], $0xffff  }
0x25c: {  	v58 =	vor.u32 $0x6, v51;
	v52 =	vld.idx.msk [tilespmem:v52+s16+$0x0], $0xffff  }
0x25d: {  	s28 =	sadd.s32 $0x2, s28;
	v59 =	vor.u32 $0x7, v51;
	v53 =	vld.idx.msk [tilespmem:v53+s16+$0x0], $0xffff  }
0x25e: {  	p1 =	slt.u32 s28, $0x3E;
	v40 =	vmul.f32 v40, v9;
	v9 =	vor.u32 $0x8, v51;
	v54 =	vld.idx.msk [tilespmem:v54+s16+$0x0], $0xffff  }
0x25f: {  	v15 =	vmul.f32 v33, v15;
	v23 =	vmul.f32 v36, v23;
	v36 =	vor.u32 $0x9, v51;
	v55 =	vld.idx.msk [tilespmem:v55+s16+$0x0], $0xffff  }
0x260: {  	v0 =	vmul.f32 v38, v0;
	v10 =	vmul.f32 v39, v10;
	v39 =	vor.u32 $0xA, v51;
	v38 =	vld.idx.msk [tilespmem:v57+s16+$0x0], $0xffff  }
0x261: {  	v41 =	vmul.f32 v41, v24;
	v42 =	vmul.f32 v42, v25;
	v57 =	vld.idx.msk [tilespmem:v58+s16+$0x0], $0xffff;
	v58 =	vor.u32 $0xB, v51  }
0x262: {  	v60 =	vor.u32 $0xC, v51;
	v43 =	vmul.f32 v43, v26;
	v44 =	vmul.f32 v44, v27;
	v59 =	vld.idx.msk [tilespmem:v59+s16+$0x0], $0xffff  }
0x263: {  	v28 =	vmul.f32 v45, v28;
	v45 =	vmul.f32 v46, v29;
	v46 =	vor.u32 $0xD, v51;
	v9 =	vld.idx.msk [tilespmem:v9+s16+$0x0], $0xffff  }
0x264: {  	v47 =	vmul.f32 v47, v30;
	v33 =	vmul.f32 v48, v31;
	v31 =	vor.u32 $0xE, v51;
	v29 =	vld.idx.msk [tilespmem:v36+s16+$0x0], $0xffff  }
0x265: {  	v30 =	vmul.f32 v50, v35;
	v36 =	vmul.f32 v49, v34;
	v26 =	vld.idx.msk [tilespmem:v39+s16+$0x0], $0xffff;
	v39 =	vor.u32 $0xF, v51  }
.Ltmp3:
0x266: {  	v24 =	vadd.f32 v15, v40;
	v25 =	vadd.f32 v0, v23;
	v34 =	vmul.f32 v32, v37;
	v35 =	vld.idx.msk [tilespmem:v58+s16+$0x0], $0xffff;
	(pc) =	sbr.rel @p1 .LBB2_8-.Ltmp3, $4  }
0x267: {  	v27 =	vadd.f32 v41, v10;
	v10 =	vmul.f32 v56, v1;
	v15 =	vmul.f32 v52, v2;
	v32 =	vld.idx.msk [tilespmem:v60+s16+$0x0], $0xffff  }
0x268: {  	v1 =	vadd.f32 v43, v42;
	v3 =	vmul.f32 v53, v3;
	v23 =	vmul.f32 v54, v4;
	v0 =	vld.idx.msk [tilespmem:v46+s16+$0x0], $0xffff  }
0x269: {  	v2 =	vadd.f32 v28, v44;
	v4 =	vmul.f32 v55, v5;
	v5 =	vmul.f32 v38, v6;
	v31 =	vld.idx.msk [tilespmem:v31+s16+$0x0], $0xffff  }
0x26a: {  	s29 =	sadd.s32 $0x20, s29;
	s0 =	sor.u32 s30, s10;
	v37 =	vadd.f32 v47, v45;
	v6 =	vmul.f32 v57, v7;
	v7 =	vmul.f32 v59, v8;
	v28 =	vld.idx.msk [tilespmem:v39+s16+$0x0], $0xffff  }
0x26b: {  	v8 =	vld [tilespmem:$0x4D00];
	_ =	sdelay $0x2  }
0x26c: {  	v46 =	vld [tilespmem:$0x4D20]  }
0x26d: {  	v19 =	vmul.f32 v26, v19;
	v26 =	vld [tilespmem:$0x4D30]  }
0x26e: {  	v8 =	vshll.u32 v8, $0x4  }
0x26f: {  	v38 =	vor.u32 $0x1, v8  }
0x270: {  	v9 =	vmul.f32 v9, v16;
	v20 =	vmul.f32 v29, v20;
	v39 =	vor.u32 $0x2, v8  }
0x271: {  	v22 =	vmul.f32 v35, v22;
	v54 =	vshll.u32 v46, $0x4;
	v46 =	vld [tilespmem:$0x4D10];
	v40 =	vor.u32 $0x3, v8  }
0x272: {  	v35 =	vadd.f32 v20, v9;
	v20 =	vshll.u32 v26, $0x4;
	v26 =	vld [tilespmem:$0x1FE00];
	v43 =	vor.u32 $0x4, v8  }
0x273: {  	v44 =	vor.u32 $0x5, v8;
	v13 =	vld.idx.msk [tilespmem:v8+s16+$0x0], $0xffff  }
0x274: {  	v61 =	vor.u32 $0x6, v8;
	v60 =	vld.idx.msk [tilespmem:v38+s16+$0x0], $0xffff  }
0x275: {  	v56 =	vor.u32 $0x8, v8;
	v62 =	vld.idx.msk [tilespmem:v39+s16+$0x0], $0xffff  }
0x276: {  	v52 =	vor.u32 $0xA, v8;
	v55 =	vld.idx.msk [tilespmem:v40+s16+$0x0], $0xffff  }
0x277: {  	v19 =	vadd.f32 v22, v19;
	v59 =	vor.u32 $0xB, v8;
	v57 =	vld.idx.msk [tilespmem:v43+s16+$0x0], $0xffff  }
0x278: {  	v53 =	vor.u32 $0xE, v8;
	v58 =	vld.idx.msk [tilespmem:v44+s16+$0x0], $0xffff  }
0x279: {  	v6 =	vadd.f32 v7, v6;
	v7 =	vadd.f32 v19, v35;
	v19 =	vor.u32 $0x5, v20;
	v50 =	vld.idx.msk [tilespmem:v61+s16+$0x0], $0xffff  }
0x27a: {  	v63 =	vor.u32 $0x7, v8;
	v51 =	vld.idx.msk [tilespmem:v56+s16+$0x0], $0xffff  }
0x27b: {  	v45 =	vor.u32 $0x9, v8;
	v52 =	vld.idx.msk [tilespmem:v52+s16+$0x0], $0xffff  }
0x27c: {  	v61 =	vor.u32 $0xC, v8;
	v41 =	vld.idx.msk [tilespmem:v59+s16+$0x0], $0xffff  }
0x27d: {  	v56 =	vor.u32 $0x2, v54;
	v44 =	vld.idx.msk [tilespmem:v53+s16+$0x0], $0xffff  }
0x27e: {  	v59 =	vor.u32 $0x6, v54;
	v19 =	vld.idx.msk [tilespmem:v19+s16+$0x0], $0xffff  }
0x27f: {  	v47 =	vor.u32 $0xB, v54;
	[tilespmem:$0x1FD40] =	vst v60;
	v60 =	vld.idx.msk [tilespmem:v63+s16+$0x0], $0xffff  }
0x280: {  	v26 =	vxor.u32 $0x80000000, v26;
	v40 =	vshll.u32 v46, $0x4;
	v63 =	vld.idx.msk [tilespmem:v45+s16+$0x0], $0xffff  }
0x281: {  	(xrf0) =	vmax.scan.msk.u32 $0xffff, v26;
	v26 =	vor.u32 $0x6, v20;
	v42 =	vld.idx.msk [tilespmem:v61+s16+$0x0], $0xffff  }
0x282: {  	v49 =	vor.u32 $0x1, v40;
	v56 =	vld.idx.msk [tilespmem:v56+s16+$0x0], $0xffff  }
0x283: {  	v38 =	vor.u32 $0x3, v40;
	v59 =	vld.idx.msk [tilespmem:v59+s16+$0x0], $0xffff  }
0x284: {  	v39 =	vor.u32 $0x6, v40;
	[tilespmem:$0x1FDE0] =	vst v44;
	v44 =	vld.idx.msk [tilespmem:v47+s16+$0x0], $0xffff  }
0x285: {  	v1 =	vadd.f32 v1, v27;
	v4 =	vadd.f32 v5, v4;
	v27 =	vor.u32 $0xB, v40;
	v5 =	vld.idx.msk [tilespmem:v40+s16+$0x0], $0xffff  }
0x286: {  	v2 =	vadd.f32 v37, v2;
	v37 =	vor.u32 $0xC, v40;
	v26 =	vld.idx.msk [tilespmem:v26+s16+$0x0], $0xffff  }
0x287: {  	v33 =	vadd.f32 v36, v33;
	v36 =	vor.u32 $0x9, v40;
	v47 =	vld.idx.msk [tilespmem:v49+s16+$0x0], $0xffff  }
0x288: {  	[tilespmem:$0x1FD30] =	vst v13;
	v13 =	vor.u32 $0xC, v54;
	v38 =	vld.idx.msk [tilespmem:v38+s16+$0x0], $0xffff  }
0x289: {  	v21 =	vmul.f32 v32, v21;
	v0 =	vmul.f32 v0, v17;
	[tilespmem:$0x1FD50] =	vst v62;
	v62 =	vor.u32 $0xD, v8;
	v16 =	vld.idx.msk [tilespmem:v39+s16+$0x0], $0xffff  }
0x28a: {  	v8 =	vor.u32 $0xF, v8;
	v39 =	vadd.f32 v34, v30;
	v9 =	vld.idx.msk [tilespmem:v27+s16+$0x0], $0xffff  }
0x28b: {  	v0 =	vadd.f32 v0, v21;
	[tilespmem:$0x1FD60] =	vst v55;
	v55 =	vor.u32 $0x1, v54;
	v21 =	vld.idx.msk [tilespmem:v37+s16+$0x0], $0xffff  }
0x28c: {  	[tilespmem:$0x1FD70] =	vst v57;
	v57 =	vor.u32 $0x3, v54;
	v29 =	vadd.f32 v39, v33;
	v39 =	vmul.f32 v31, v18;
	v18 =	vld.idx.msk [tilespmem:v36+s16+$0x0], $0xffff  }
0x28d: {  	v45 =	vor.u32 $0x4, v54;
	v46 =	vld.idx.msk [tilespmem:v13+s16+$0x0], $0xffff  }
0x28e: {  	[tilespmem:$0x1FD80] =	vst v58;
	v58 =	vor.u32 $0x5, v54;
	v43 =	vld.idx.msk [tilespmem:v62+s16+$0x0], $0xffff  }
0x28f: {  	v61 =	vor.u32 $0x8, v54;
	v8 =	vld.idx.msk [tilespmem:v8+s16+$0x0], $0xffff  }
0x290: {  	v48 =	vor.u32 $0xD, v54;
	v55 =	vld.idx.msk [tilespmem:v55+s16+$0x0], $0xffff  }
0x291: {  	[tilespmem:$0x1FDB0] =	vst v41;
	v41 =	vor.u32 $0x2, v40;
	v57 =	vld.idx.msk [tilespmem:v57+s16+$0x0], $0xffff  }
0x292: {  	v34 =	vor.u32 $0xA, v40;
	v53 =	vld.idx.msk [tilespmem:v45+s16+$0x0], $0xffff  }
0x293: {  	v37 =	vor.u32 $0x3, v20;
	v58 =	vld.idx.msk [tilespmem:v58+s16+$0x0], $0xffff  }
0x294: {  	v27 =	vor.u32 $0x4, v20;
	v61 =	vld.idx.msk [tilespmem:v61+s16+$0x0], $0xffff  }
0x295: {  	v45 =	vld.idx.msk [tilespmem:v48+s16+$0x0], $0xffff  }
0x296: {  	v24 =	vadd.f32 v25, v24;
	v33 =	vor.u32 $0xE, v40;
	v48 =	vld.idx.msk [tilespmem:v41+s16+$0x0], $0xffff  }
0x297: {  	v10 =	vadd.f32 v15, v10;
	v3 =	vadd.f32 v23, v3;
	v36 =	vor.u32 $0x1, v20;
	v15 =	vld.idx.msk [tilespmem:v34+s16+$0x0], $0xffff  }
0x298: {  	v1 =	vadd.f32 v1, v24;
	v31 =	vor.u32 $0x7, v20;
	v2 =	vadd.f32 v29, v2;
	v23 =	vld.idx.msk [tilespmem:v37+s16+$0x0], $0xffff  }
0x299: {  	v13 =	vor.u32 $0x4, v40;
	v27 =	vld.idx.msk [tilespmem:v27+s16+$0x0], $0xffff  }
0x29a: {  	[tilespmem:$0x1FD90] =	vst v60;
	v60 =	vor.u32 $0x7, v54;
	v1 =	vadd.f32 v2, v1;
	v2 =	vld [tilespmem:$0x1FD30]  }
0x29b: {  	v3 =	vadd.f32 v3, v10;
	v62 =	vor.u32 $0x9, v54;
	v10 =	vld.idx.msk [tilespmem:v33+s16+$0x0], $0xffff  }
0x29c: {  	[tilespmem:$0x1FDA0] =	vst v63;
	v63 =	vor.u32 $0xA, v54;
	v22 =	vld.idx.msk [tilespmem:v36+s16+$0x0], $0xffff  }
0x29d: {  	v31 =	vld.idx.msk [tilespmem:v31+s16+$0x0], $0xffff  }
0x29e: {  	[tilespmem:$0x1FDC0] =	vst v42;
	v42 =	vor.u32 $0xE, v54;
	v13 =	vld.idx.msk [tilespmem:v13+s16+$0x0], $0xffff  }
0x29f: {  	v41 =	vor.u32 $0x7, v40;
	v60 =	vld.idx.msk [tilespmem:v60+s16+$0x0], $0xffff  }
0x2a0: {  	v62 =	vld.idx.msk [tilespmem:v62+s16+$0x0], $0xffff  }
0x2a1: {  	v34 =	vor.u32 $0xF, v40;
	v63 =	vld.idx.msk [tilespmem:v63+s16+$0x0], $0xffff  }
0x2a2: {  	[tilespmem:$0x1FDD0] =	vst v43;
	v43 =	vld.idx.msk [tilespmem:v54+s16+$0x0], $0xffff;
	v54 =	vor.u32 $0xF, v54  }
0x2a3: {  	[tilespmem:$0x1FDF0] =	vst v8;
	v42 =	vld.idx.msk [tilespmem:v42+s16+$0x0], $0xffff;
	v8 =	vor.u32 $0x5, v40  }
0x2a4: {  	v30 =	vld.idx.msk [tilespmem:v41+s16+$0x0], $0xffff;
	v41 =	vor.u32 $0xD, v40  }
0x2a5: {  	v25 =	vld [tilespmem:s0+$0x0]  }
0x2a6: {  	v4 =	vadd.f32 v6, v4;
	v6 =	vld.idx.msk [tilespmem:v34+s16+$0x0], $0xffff  }
0x2a7: {  	v54 =	vld.idx.msk [tilespmem:v54+s16+$0x0], $0xffff  }
0x2a8: {  	v49 =	vld.idx.msk [tilespmem:v8+s16+$0x0], $0xffff  }
0x2a9: {  	v24 =	vld.idx.msk [tilespmem:v41+s16+$0x0], $0xffff  }
0x2aa: {  	v34 =	vor.u32 $0x8, v20;
	v8 =	vor.u32 $0x8, v40;
	v40 =	vld [tilespmem:$0x1FD50]  }
0x2ab: {  	v41 =	vld [tilespmem:$0x1FD60]  }
0x2ac: {  	v2 =	vmul.f32 v43, v2;
	v43 =	vld [tilespmem:$0x1FD70];
	v25 =	vmul.f32 v28, v25  }
0x2ad: {  	v36 =	vmul.f32 v59, v50;
	v50 =	vmul.f32 v63, v52;
	v63 =	vld [tilespmem:$0x1FDE0]  }
0x2ae: {  	v17 =	vadd.f32 v25, v39;
	v39 =	vld [tilespmem:$0x1FD40]  }
0x2af: {  	v34 =	vld.idx.msk [tilespmem:v34+s16+$0x0], $0xffff  }
0x2b0: {  	v29 =	vmul.f32 v56, v40;
	v56 =	vld [tilespmem:$0x1FD90]  }
0x2b1: {  	v52 =	vor.u32 $0xC, v20;
	v8 =	vld.idx.msk [tilespmem:v8+s16+$0x0], $0xffff  }
0x2b2: {  	v25 =	vor.u32 $0x2, v20;
	v0 =	vadd.f32 v17, v0;
	v17 =	vld.idx.msk [tilespmem:v20+s16+$0x0], $0xffff  }
0x2b3: {  	v28 =	vmul.f32 v55, v39;
	v55 =	vld [tilespmem:$0x1FD80]  }
0x2b4: {  	v37 =	vor.u32 $0x9, v20;
	v40 =	vmul.f32 v61, v51;
	v61 =	vld [tilespmem:$0x1FDC0]  }
0x2b5: {  	v32 =	vmul.f32 v57, v41;
	v57 =	vor.u32 $0xA, v20;
	v39 =	vmul.f32 v60, v56;
	v60 =	vld [tilespmem:$0x1FDB0]  }
0x2b6: {  	v51 =	vor.u32 $0xB, v20;
	v42 =	vmul.f32 v42, v63;
	v63 =	vld.idx.msk [tilespmem:v52+s16+$0x0], $0xffff  }
0x2b7: {  	v59, _, _ =	vpop (xrf0);
	v33 =	vmul.f32 v53, v43;
	v53 =	vor.u32 $0xD, v20;
	v25 =	vld.idx.msk [tilespmem:v25+s16+$0x0], $0xffff  }
0x2b8: {  	v16 =	vmul.f32 v26, v16;
	(v2sf) =	vpush v59, $0xF;
	v35 =	vmul.f32 v58, v55;
	v58 =	vld [tilespmem:$0x1FDA0]  }
0x2b9: {  	v13 =	vmul.f32 v27, v13;
	v26 =	vmul.f32 v31, v30;
	v2 =	vadd.f32 v28, v2;
	v28 =	vld.idx.msk [tilespmem:v37+s16+$0x0], $0xffff  }
0x2ba: {  	v19 =	vmul.f32 v19, v49;
	v57 =	vld.idx.msk [tilespmem:v57+s16+$0x0], $0xffff;
	v55 =	vor.u32 $0xE, v20;
	v44 =	vmul.f32 v44, v60  }
0x2bb: {  	v16 =	vadd.f32 v26, v16;
	v20 =	vor.u32 $0xF, v20;
	v60 =	vld.idx.msk [tilespmem:v51+s16+$0x0], $0xffff  }
0x2bc: {  	v13 =	vadd.f32 v19, v13;
	v46 =	vmul.f32 v46, v61;
	v61 =	vadd.f32 v44, v50;
	v50 =	vld.idx.msk [tilespmem:v53+s16+$0x0], $0xffff  }
0x2bd: {  	v23 =	vmul.f32 v23, v38;
	v29 =	vadd.f32 v32, v29;
	v43 =	vmul.f32 v62, v58;
	v62 =	vld [tilespmem:$0x1FDD0]  }
0x2be: {  	v13 =	vadd.f32 v16, v13;
	v5 =	vmul.f32 v17, v5;
	v8 =	vmul.f32 v34, v8;
	v58 =	vld [tilespmem:$0x1FDF0]  }
0x2bf: {  	v21 =	vmul.f32 v63, v21;
	v36 =	vadd.f32 v39, v36;
	v56 =	vadd.f32 v35, v33;
	v27 =	vld.idx.msk [tilespmem:v55+s16+$0x0], $0xffff  }
0x2c0: {  	v2 =	vadd.f32 v29, v2;
	v25 =	vmul.f32 v25, v48;
	v18 =	vmul.f32 v28, v18;
	v20 =	vld.idx.msk [tilespmem:v20+s16+$0x0], $0xffff  }
0x2c1: {  	v15 =	vmul.f32 v57, v15;
	v51 =	vadd.f32 v36, v56;
	v59 =	vadd.f32 v43, v40  }
0x2c2: {  	v8 =	vadd.f32 v18, v8;
	v55 =	vadd.f32 v23, v25;
	v9 =	vmul.f32 v60, v9  }
0x2c3: {  	v52 =	vadd.f32 v61, v59;
	v45 =	vmul.f32 v45, v62;
	v35 =	vmul.f32 v54, v58  }
0x2c4: {  	v9 =	vadd.f32 v9, v15;
	v62 =	vmul.f32 v22, v47;
	v54 =	vmul.f32 v50, v24  }
0x2c5: {  	v10 =	vmul.f32 v27, v10;
	v6 =	vmul.f32 v20, v6;
	v47 =	vadd.f32 v45, v46  }
0x2c6: {  	v35 =	vadd.f32 v35, v42;
	v5 =	vadd.f32 v62, v5  }
0x2c7: {  	v11 =	vadd.s32 $0x880, v11;
	s30 =	spop (v2sf);
	v56 =	vadd.f32 v54, v21;
	v6 =	vadd.f32 v6, v10  }
0x2c8: {  	s0 =	sadd.s32 $0x80000001, s30;
	v57 =	vadd.s32 $0x880, v14;
	v8 =	vadd.f32 v9, v8;
	v53 =	vadd.f32 v35, v47  }
0x2c9: {  	v58 =	vmov s0;
	v5 =	vadd.f32 v55, v5;
	v6 =	vadd.f32 v6, v56  }
0x2ca: {  	v2 =	vadd.f32 v51, v2;
	v9 =	vcvt.s32.f32 v58;
	v59 =	vadd.f32 v53, v52  }
0x2cb: {  	v60 =	vld [tilespmem:$0x4D40];
	v5 =	vadd.f32 v13, v5;
	v6 =	vadd.f32 v6, v8  }
0x2cc: {  	v3 =	vadd.f32 v4, v3;
	v61 =	vld [tilespmem:$0x4D50];
	v62 =	vbroadcast v9, $0x0;
	v2 =	vadd.f32 v59, v2  }
0x2cd: {  	v0 =	vadd.f32 v0, v7;
	v63 =	vld.idx.msk [tilespmem:v11+s16+$0x0], $0xffff;
	v5 =	vadd.f32 v6, v5  }
0x2ce: {  	v1 =	vsub.f32 $5.000000000e-01, v1;
	(erf) = vrcp.f32 v62;
	v2 =	vsub.f32 $1.000000000e+00, v2  }
0x2cf: {  	v0 =	vadd.f32 v0, v3;
	v3 =	vld.idx.msk [tilespmem:v57+s16+$0x0], $0xffff;
	v5 =	vsub.f32 $1.000000000e+00, v5  }
0x2d0: {  	v2 =	vmul.f32 v2, v60  }
0x2d1: {  	v1 =	vmax.f32 v1, $0.0e+00;
	v0 =	vsub.f32 $5.000000000e-01, v0;
	v4 =	vmul.f32 v5, v61  }
0x2d2: {  	v1 =	vmul.f32 v1, v63;
	v2 =	vsub.f32 $1.500000000e+00, v2  }
0x2d3: {  	v0 =	vmax.f32 v0, $0.0e+00;
	v4 =	vsub.f32 $1.500000000e+00, v4  }
0x2d4: {  	v1 =	vadd.f32 v1, v12;
	v0 =	vmul.f32 v0, v3;
	v2 =	vmax.f32 v2, $0.0e+00  }
0x2d5: {  	v3 =	vmax.f32 v4, $0.0e+00  }
0x2d6: {  	v0 =	vadd.f32 v0, v1;
	v1 =	vadd.f32 v3, v2  }
0x2d7: {  	v2 =	vpop (erf)  }
0x2d8: {  	v1 =	vmul.f32 $1.953125000e-03, v1;
	v0 =	vmul.f32 v0, v2;
	_ =	sdelay $0x1  }
0x2d9: {  	s24 =	sadd.s32 $0x1, s24;
	v0 =	vadd.f32 v1, v0  }
0x2da: {  	p1 =	sne.s32 s24, s9  }
.Ltmp4:
0x2db: {  	s31 =	simm.s32 $0x4DF0;
	[tilespmem:$0x4DF0] =	vst v0;
	(pc) =	sbr.rel @p1 .LBB2_1-.Ltmp4, $4  }
0x2dc: {  	[hbm4b:s8+s2] =	stream.linear.scatter [tilespmem:s31], [sflag:$0x2], $0x10, $0x38;
	[tilespmem:$0x4E90] =	vst v63  }
0x2dd: {  	_ =	swait.ge [sflag:s22], $0x10  }
0x2de: {  	[sflag:s22] =	ssyncset.done $0x0  }
0x2df: {  	v25 =	vlaneseq.u32;
	v24 =	vimm.f32 $1.000000000e+00;
	v0 =	vimm.f32 $0.0e+00;
	[sflag:s22] =	ssyncadd.s32 $0xFFFFFFF0  }
0x2e0: {  	_ =	sfence.sel $0x180000  }
0x2e1: {  	[bflag:$0x0] =	sbarrier.arrive $0xFFFF  }
0x2e2: {  	_ =	strace $0x90000047  }
0x2e3: {  	[bflag:$0x2] =	sbarrier.arrive $0xFFFF  }
0x2e4: {  	s0 =	rddreg [dreg:$0x4]  }
0x2e5: {  	s0 =	sadd.s32 @!p0 $0x100000, s0  }
0x2e6: {  	[sflag:s0] =	ssyncadd.tile.s32 @!p0 $0x1;
	_ =	shalt  }
.Lfunc_end2:
_tile_overlayer_lowered:
.L_overlay_start_2:
0x2e7: {  	(tag) =	ssettag $0x2  }
0x2e8: {  	s0 =	rddreg [dreg:$0x0];
	s2 =	stileid.u32  }
0x2e9: {  	s1 =	rddreg [dreg:$0x1];
	p0 =	sne.s32 s2, $0x0  }
0x2ea: {  	s3 =	rddreg [dreg:$0x2];
	[bflag:$0x3] =	sbarrier.arrive $0xFFFF;
	s2 =	simm.s32 @!p0 $0x1C02  }
0x2eb: {  	[timem:s3], [sflag:s2] =	dma.local @!p0 [hbm:s0], s1  }
0x2ec: {  	s0 =	simm.s32 @!p0 $0x2  }
0x2ed: {  	_ =	swait.ge @!p0 [sflag:s0], s1  }
0x2ee: {  	s1 =	ssub.s32 @!p0 $0x0, s1;
	[sflag:s0] =	ssyncset.done @!p0 $0x0  }
0x2ef: {  	[sflag:s0] =	ssyncadd.s32 @!p0 s1  }
0x2f0: {  	[bflag:$0x3] =	sbarrier.arrive $0xFFFF  }
0x2f1: {  	_ =	shalt  }

</sc_bundles>
